<compile_context>
chip_gen: v7x
topology: tpu7x:2x2x1
jax: 0.10.2.dev20260603
libtpu: 0.0.44.dev20260713+nightly
codegen_flags: <defaults>
</compile_context>

<pallas_src>
import functools

import jax
import jax.numpy as jnp
from jax import lax
from jax.experimental import pallas as pl
from jax.experimental.pallas import tpu as pltpu
from jax.experimental.pallas import tpu_sc as plsc

N_ENT = 100000
N_REL = 1000
D = 64
W = 128
B = 16384
MULT = 20.0

NC = 2
NS = 16
L = 16
NW = NC * NS
BPW = B // NW
CH = 64
NCHUNK = BPW // CH
NG = CH // L

EBLK = 12544


def _ident():
    r = lax.broadcasted_iota(jnp.int32, (D, D), 0)
    c = lax.broadcasted_iota(jnp.int32, (D, D), 1)
    return jnp.where(r == c, 1.0, 0.0).astype(jnp.float32)


_DN_T = (((0,), (0,)), ((), ()))


def _mxu_t(x, ident):
    return lax.dot_general(x, ident, _DN_T, preferred_element_type=jnp.float32)


def _prep_body(et_ref, ett_ref, rt_ref, rhtt_ref, rttt_ref,
               out_ref, rp_ref, rhtt_out_ref):
    ident = _ident()
    out_ref[:, 0:D] = _mxu_t(et_ref[...], ident)
    out_ref[:, D:W] = _mxu_t(ett_ref[...], ident)

    @pl.when(pl.program_id(0) == 0)
    def _():
        r = _mxu_t(rt_ref[...], ident)
        rp_ref[:, 0:D] = r
        rp_ref[:, D:W] = jnp.zeros_like(r)
        rhtt_out_ref[:, 0:D] = _mxu_t(rhtt_ref[...], ident)
        rhtt_out_ref[:, D:W] = _mxu_t(rttt_ref[...], ident)


_prep = pl.pallas_call(
    _prep_body,
    compiler_params=pltpu.CompilerParams(fuse_transposed_lhs_in_matmul=True),
    grid=(pl.cdiv(N_ENT, EBLK),),
    in_specs=[
        pl.BlockSpec((D, EBLK), lambda i: (0, i)),
        pl.BlockSpec((D, EBLK), lambda i: (0, i)),
        pl.BlockSpec((D, N_REL), lambda i: (0, 0)),
        pl.BlockSpec((D, N_REL), lambda i: (0, 0)),
        pl.BlockSpec((D, N_REL), lambda i: (0, 0)),
    ],
    out_specs=[
        pl.BlockSpec((EBLK, W), lambda i: (i, 0)),
        pl.BlockSpec((N_REL, W), lambda i: (0, 0)),
        pl.BlockSpec((N_REL, W), lambda i: (0, 0)),
    ],
    out_shape=[
        jax.ShapeDtypeStruct((N_ENT, W), jnp.float32),
        jax.ShapeDtypeStruct((N_REL, W), jnp.float32),
        jax.ShapeDtypeStruct((N_REL, W), jnp.float32),
    ],
)

_mesh = plsc.VectorSubcoreMesh(core_axis_name="c", subcore_axis_name="s")


@functools.partial(
    pl.kernel,
    out_type=jax.ShapeDtypeStruct((B,), jnp.float32),
    mesh=_mesh,
    compiler_params=pltpu.CompilerParams(
        needs_layout_passes=False, use_tc_tiling_on_sc=True),
    scratch_types=[
        pltpu.VMEM((BPW,), jnp.int32),
        pltpu.VMEM((BPW,), jnp.int32),
        pltpu.VMEM((BPW,), jnp.int32),
        pltpu.VMEM((CH, W), jnp.float32),
        pltpu.VMEM((CH, W), jnp.float32),
        pltpu.VMEM((CH, W), jnp.float32),
        pltpu.VMEM((CH, W), jnp.float32),
        pltpu.VMEM((CH, W), jnp.float32),
        pltpu.VMEM((CH, W), jnp.float32),
        pltpu.VMEM((CH, W), jnp.float32),
        pltpu.VMEM((CH, W), jnp.float32),
        pltpu.VMEM((BPW,), jnp.float32),
        pltpu.SemaphoreType.DMA,
        pltpu.SemaphoreType.DMA,
    ],
)
def _sc_score(s_hbm, r_hbm, o_hbm, ee_hbm, rp_hbm, rhtt_hbm,
              out_hbm,
              sidx, ridx, oidx,
              srow0, orow0, rrow0, rtrow0,
              srow1, orow1, rrow1, rtrow1,
              outv, sem0, sem1):
    wid = lax.axis_index("s") * NC + lax.axis_index("c")
    base = pl.multiple_of(wid * BPW, BPW)

    sets = ((srow0, orow0, rrow0, rtrow0, sem0),
            (srow1, orow1, rrow1, rtrow1, sem1))

    def fire(c, bset):
        srow, orow, rrow, rtrow, sem = bset
        off = pl.multiple_of(c * CH, CH)
        pltpu.async_copy(ee_hbm.at[sidx.at[pl.ds(off, CH)]], srow, sem)
        pltpu.async_copy(ee_hbm.at[oidx.at[pl.ds(off, CH)]], orow, sem)
        pltpu.async_copy(rp_hbm.at[ridx.at[pl.ds(off, CH)]], rrow, sem)
        pltpu.async_copy(rhtt_hbm.at[ridx.at[pl.ds(off, CH)]], rtrow, sem)

    def drain(c, bset):
        srow, orow, rrow, rtrow, sem = bset
        off = pl.multiple_of(c * CH, CH)
        pltpu.make_async_copy(ee_hbm.at[sidx.at[pl.ds(off, CH)]], srow, sem).wait()
        pltpu.make_async_copy(ee_hbm.at[oidx.at[pl.ds(off, CH)]], orow, sem).wait()
        pltpu.make_async_copy(rp_hbm.at[ridx.at[pl.ds(off, CH)]], rrow, sem).wait()
        pltpu.make_async_copy(rhtt_hbm.at[ridx.at[pl.ds(off, CH)]], rtrow, sem).wait()

    pltpu.sync_copy(s_hbm.at[pl.ds(base, BPW)], sidx)
    pltpu.sync_copy(r_hbm.at[pl.ds(base, BPW)], ridx)
    pltpu.sync_copy(o_hbm.at[pl.ds(base, BPW)], oidx)
    fire(0, sets[0])

    lane = lax.iota(jnp.int32, 16)

    def compute(c, bset):
        srow, orow, rrow, rtrow, _ = bset
        for g in range(NG):
            tvec = lane + g * L

            def dim_body(d, accs):
                accs = list(accs)
                for u in range(2):
                    dv = (lane + 2 * d + u) & 63
                    dv2 = dv + 64
                    s_e = plsc.load_gather(srow, [tvec, dv])
                    s_t = plsc.load_gather(srow, [tvec, dv2])
                    o_e = plsc.load_gather(orow, [tvec, dv])
                    o_t = plsc.load_gather(orow, [tvec, dv2])
                    r_e = plsc.load_gather(rrow, [tvec, dv])
                    r_h = plsc.load_gather(rtrow, [tvec, dv])
                    r_t = plsc.load_gather(rtrow, [tvec, dv2])
                    accs[3 * u + 0] = accs[3 * u + 0] + s_e * r_e * o_e
                    accs[3 * u + 1] = accs[3 * u + 1] + s_t * r_h
                    accs[3 * u + 2] = accs[3 * u + 2] + o_t * r_t
                return tuple(accs)

            z = jnp.zeros((L,), jnp.float32)
            acc6 = lax.fori_loop(0, D // 2, dim_body, (z,) * 6)
            b_acc = acc6[0] + acc6[3]
            h_acc = acc6[1] + acc6[4]
            t_acc = acc6[2] + acc6[5]
            res = (MULT
                   / (1.0 + jnp.exp(-b_acc))
                   / (1.0 + jnp.exp(-h_acc))
                   / (1.0 + jnp.exp(-t_acc)))
            outv[pl.ds(c * CH + g * L, L)] = res

    def pair_body(p, carry):
        for b in (0, 1):
            c = 2 * p + b

            @pl.when(c + 1 < NCHUNK)
            def _():
                fire(c + 1, sets[1 - b])

            drain(c, sets[b])
            compute(c, sets[b])
        return carry

    lax.fori_loop(0, NCHUNK // 2, pair_body, 0)
    pltpu.sync_copy(outv, out_hbm.at[pl.ds(base, BPW)])


def kernel(s, r, o, E, R, E_t, R_ht, R_tt):
    ee, rp, rhtt = _prep(E.T, E_t.T, R.T, R_ht.T, R_tt.T)
    return _sc_score(s, r, o, ee, rp, rhtt)

# --- scband reference (transcript-rebuilt; emitter-appended) ---
"""Pipeline reference for scband-typed-model-1288490189391 (READ-ONLY COPY).

The authoritative reference and input builder live on the scoring server;
editing this copy changes nothing except your own understanding.
"""

import jax, jax.numpy as jnp
import numpy as np

N_ENT = 100000
N_REL = 1000
D = 64
B = 16384
PSI = 1.0
MULT = 20.0


def setup_inputs(seed: int = 0) -> dict:
    key = jax.random.key(seed)
    ks = jax.random.split(key, 8)
    s = jax.random.randint(ks[0], (B,), 0, N_ENT, dtype=jnp.int32)
    r = jax.random.randint(ks[1], (B,), 0, N_REL, dtype=jnp.int32)
    o = jax.random.randint(ks[2], (B,), 0, N_ENT, dtype=jnp.int32)
    # base model (distmult) parameters
    E = 0.05 * jax.random.normal(ks[3], (N_ENT, D), dtype=jnp.float32)
    R = 0.05 * jax.random.normal(ks[4], (N_REL, D), dtype=jnp.float32)
    # typed_model parameters
    E_t = 0.05 * jax.random.normal(ks[5], (N_ENT, D), dtype=jnp.float32)
    R_ht = 0.05 * jax.random.normal(ks[6], (N_REL, D), dtype=jnp.float32)
    R_tt = 0.05 * jax.random.normal(ks[7], (N_REL, D), dtype=jnp.float32)
    return {"s": s, "r": r, "o": o, "E": E, "R": R, "E_t": E_t, "R_ht": R_ht, "R_tt": R_tt}


def reference(s, r, o, E, R, E_t, R_ht, R_tt):
    # base model: distmult score
    s_e = jnp.take(E, s, axis=0)
    r_e = jnp.take(R, r, axis=0)
    o_e = jnp.take(E, o, axis=0)
    base_forward = jnp.sum(s_e * r_e * o_e, axis=-1)
    # typed compatibilities
    s_t = jnp.take(E_t, s, axis=0)
    r_ht = jnp.take(R_ht, r, axis=0)
    r_tt = jnp.take(R_tt, r, axis=0)
    o_t = jnp.take(E_t, o, axis=0)
    head_type_compatibility = jnp.sum(s_t * r_ht, axis=-1)
    tail_type_compatibility = jnp.sum(o_t * r_tt, axis=-1)
    base_forward = jax.nn.sigmoid(PSI * base_forward)
    head_type_compatibility = jax.nn.sigmoid(PSI * head_type_compatibility)
    tail_type_compatibility = jax.nn.sigmoid(PSI * tail_type_compatibility)
    return MULT * base_forward * head_type_compatibility * tail_type_compatibility

if __name__ == "__main__":
    import jax
    _d = setup_inputs()
    print(jax.jit(kernel)(*tuple(_d.values())))

</pallas_src>

<mosaic_0001>
#map = affine_map<(d0, d1) -> (0)>
#map1 = affine_map<(d0, d1) -> (0, 0)>
module attributes {stable_mosaic.version = 14 : i64} {
  func.func @_sc_score(%arg0: i32, %arg1: i32, %arg2: memref<16384xi32, #tpu.memory_space<hbm>>, %arg3: memref<16384xi32, #tpu.memory_space<hbm>>, %arg4: memref<16384xi32, #tpu.memory_space<hbm>>, %arg5: memref<100000x128xf32, #tpu.memory_space<hbm>>, %arg6: memref<1000x128xf32, #tpu.memory_space<hbm>>, %arg7: memref<1000x128xf32, #tpu.memory_space<hbm>>, %arg8: memref<16384xf32, #tpu.memory_space<hbm>>, %arg9: memref<512xi32, #tpu.memory_space<vmem>>, %arg10: memref<512xi32, #tpu.memory_space<vmem>>, %arg11: memref<512xi32, #tpu.memory_space<vmem>>, %arg12: memref<64x128xf32, #tpu.memory_space<vmem>>, %arg13: memref<64x128xf32, #tpu.memory_space<vmem>>, %arg14: memref<64x128xf32, #tpu.memory_space<vmem>>, %arg15: memref<64x128xf32, #tpu.memory_space<vmem>>, %arg16: memref<64x128xf32, #tpu.memory_space<vmem>>, %arg17: memref<64x128xf32, #tpu.memory_space<vmem>>, %arg18: memref<64x128xf32, #tpu.memory_space<vmem>>, %arg19: memref<64x128xf32, #tpu.memory_space<vmem>>, %arg20: memref<512xf32, #tpu.memory_space<vmem>>, %arg21: memref<!tpu.dma_semaphore, #tpu.memory_space<semaphore_mem>>, %arg22: memref<!tpu.dma_semaphore, #tpu.memory_space<semaphore_mem>>) attributes {dimension_semantics = [#tpu.dimension_semantics<core_parallel>, #tpu.dimension_semantics<subcore_parallel>], iteration_bounds = array<i64: 2, 16>, scalar_prefetch = 0 : i64, scratch_operands = 14 : i64, tpu.core_type = #tpu.core_type<sc_vector_subcore>, window_params = [{transform_indices = #map}, {transform_indices = #map}, {transform_indices = #map}, {transform_indices = #map1}, {transform_indices = #map1}, {transform_indices = #map1}, {transform_indices = #map}]} {
    %mul3A = arith.constant 2 : i32
    %mul3A_0 = arith.muli %arg1, %mul3A : i32
    %add3A = arith.addi %mul3A_0, %arg0 : i32
    %mul3A_1 = arith.constant 512 : i32
    %mul3A_2 = arith.muli %add3A, %mul3A_1 : i32
    %multiple_of3A = tpu.assume_multiple %mul3A_2, 512 : i32
    "tpu.region"() ({
      %run_scoped3A = tpu.sem_alloc : memref<!tpu.dma_semaphore, #tpu.memory_space<semaphore_mem>>
      %dma_start3A_25 = tpu.memref_slice %arg2[%multiple_of3A] : memref<16384xi32, #tpu.memory_space<hbm>> -> memref<512xi32, #tpu.memory_space<hbm>>
      %dma_start3A_26 = tpu.memref_slice %arg2[%multiple_of3A] : memref<16384xi32, #tpu.memory_space<hbm>> -> memref<512xi32, #tpu.memory_space<hbm>>
      tpu.enqueue_dma source(%dma_start3A_26 : memref<512xi32, #tpu.memory_space<hbm>>) target(%arg9 : memref<512xi32, #tpu.memory_space<vmem>>) target_semaphore(%run_scoped3A : memref<!tpu.dma_semaphore, #tpu.memory_space<semaphore_mem>>)
      %dma_wait3A = tpu.memref_slice %arg2[%multiple_of3A] : memref<16384xi32, #tpu.memory_space<hbm>> -> memref<512xi32, #tpu.memory_space<hbm>>
      %dma_wait3A_27 = tpu.memref_slice %arg2[%multiple_of3A] : memref<16384xi32, #tpu.memory_space<hbm>> -> memref<512xi32, #tpu.memory_space<hbm>>
      tpu.wait_dma2 semaphore(%run_scoped3A : memref<!tpu.dma_semaphore, #tpu.memory_space<semaphore_mem>>) src(%dma_wait3A_27 : memref<512xi32, #tpu.memory_space<hbm>>) dst(%arg9 : memref<512xi32, #tpu.memory_space<vmem>>)
      tpu.yield
    }) : () -> ()
    "tpu.region"() ({
      %run_scoped3A = tpu.sem_alloc : memref<!tpu.dma_semaphore, #tpu.memory_space<semaphore_mem>>
      %dma_start3A_25 = tpu.memref_slice %arg3[%multiple_of3A] : memref<16384xi32, #tpu.memory_space<hbm>> -> memref<512xi32, #tpu.memory_space<hbm>>
      %dma_start3A_26 = tpu.memref_slice %arg3[%multiple_of3A] : memref<16384xi32, #tpu.memory_space<hbm>> -> memref<512xi32, #tpu.memory_space<hbm>>
      tpu.enqueue_dma source(%dma_start3A_26 : memref<512xi32, #tpu.memory_space<hbm>>) target(%arg10 : memref<512xi32, #tpu.memory_space<vmem>>) target_semaphore(%run_scoped3A : memref<!tpu.dma_semaphore, #tpu.memory_space<semaphore_mem>>)
      %dma_wait3A = tpu.memref_slice %arg3[%multiple_of3A] : memref<16384xi32, #tpu.memory_space<hbm>> -> memref<512xi32, #tpu.memory_space<hbm>>
      %dma_wait3A_27 = tpu.memref_slice %arg3[%multiple_of3A] : memref<16384xi32, #tpu.memory_space<hbm>> -> memref<512xi32, #tpu.memory_space<hbm>>
      tpu.wait_dma2 semaphore(%run_scoped3A : memref<!tpu.dma_semaphore, #tpu.memory_space<semaphore_mem>>) src(%dma_wait3A_27 : memref<512xi32, #tpu.memory_space<hbm>>) dst(%arg10 : memref<512xi32, #tpu.memory_space<vmem>>)
      tpu.yield
    }) : () -> ()
    "tpu.region"() ({
      %run_scoped3A = tpu.sem_alloc : memref<!tpu.dma_semaphore, #tpu.memory_space<semaphore_mem>>
      %dma_start3A_25 = tpu.memref_slice %arg4[%multiple_of3A] : memref<16384xi32, #tpu.memory_space<hbm>> -> memref<512xi32, #tpu.memory_space<hbm>>
      %dma_start3A_26 = tpu.memref_slice %arg4[%multiple_of3A] : memref<16384xi32, #tpu.memory_space<hbm>> -> memref<512xi32, #tpu.memory_space<hbm>>
      tpu.enqueue_dma source(%dma_start3A_26 : memref<512xi32, #tpu.memory_space<hbm>>) target(%arg11 : memref<512xi32, #tpu.memory_space<vmem>>) target_semaphore(%run_scoped3A : memref<!tpu.dma_semaphore, #tpu.memory_space<semaphore_mem>>)
      %dma_wait3A = tpu.memref_slice %arg4[%multiple_of3A] : memref<16384xi32, #tpu.memory_space<hbm>> -> memref<512xi32, #tpu.memory_space<hbm>>
      %dma_wait3A_27 = tpu.memref_slice %arg4[%multiple_of3A] : memref<16384xi32, #tpu.memory_space<hbm>> -> memref<512xi32, #tpu.memory_space<hbm>>
      tpu.wait_dma2 semaphore(%run_scoped3A : memref<!tpu.dma_semaphore, #tpu.memory_space<semaphore_mem>>) src(%dma_wait3A_27 : memref<512xi32, #tpu.memory_space<hbm>>) dst(%arg11 : memref<512xi32, #tpu.memory_space<vmem>>)
      tpu.yield
    }) : () -> ()
    %multiple_of3A_3 = arith.constant 0 : i32
    %multiple_of3A_4 = tpu.assume_multiple %multiple_of3A_3, 64 : i32
    %dma_start3A = tpu.memref_slice %arg9[%multiple_of3A_4] : memref<512xi32, #tpu.memory_space<vmem>> -> memref<64xi32, #tpu.memory_space<vmem>>
    %dma_start3A_5 = arith.constant 0 : i32
    %dma_start3A_6 = arith.constant 0 : i32
    %dma_start3A_7 = tpu.memref_slice %arg5[%dma_start3A_5, %dma_start3A_6] : memref<100000x128xf32, #tpu.memory_space<hbm>> -> memref<100000x128xf32, #tpu.memory_space<hbm>>
    tpu.enqueue_indirect_dma source(%dma_start3A_7 : memref<100000x128xf32, #tpu.memory_space<hbm>>) target(%arg12 : memref<64x128xf32, #tpu.memory_space<vmem>>) offsets(%dma_start3A : memref<64xi32, #tpu.memory_space<vmem>>) semaphore(%arg21 : memref<!tpu.dma_semaphore, #tpu.memory_space<semaphore_mem>>)
    %dma_start3A_8 = tpu.memref_slice %arg11[%multiple_of3A_4] : memref<512xi32, #tpu.memory_space<vmem>> -> memref<64xi32, #tpu.memory_space<vmem>>
    %dma_start3A_9 = arith.constant 0 : i32
    %dma_start3A_10 = arith.constant 0 : i32
    %dma_start3A_11 = tpu.memref_slice %arg5[%dma_start3A_9, %dma_start3A_10] : memref<100000x128xf32, #tpu.memory_space<hbm>> -> memref<100000x128xf32, #tpu.memory_space<hbm>>
    tpu.enqueue_indirect_dma source(%dma_start3A_11 : memref<100000x128xf32, #tpu.memory_space<hbm>>) target(%arg13 : memref<64x128xf32, #tpu.memory_space<vmem>>) offsets(%dma_start3A_8 : memref<64xi32, #tpu.memory_space<vmem>>) semaphore(%arg21 : memref<!tpu.dma_semaphore, #tpu.memory_space<semaphore_mem>>)
    %dma_start3A_12 = tpu.memref_slice %arg10[%multiple_of3A_4] : memref<512xi32, #tpu.memory_space<vmem>> -> memref<64xi32, #tpu.memory_space<vmem>>
    %dma_start3A_13 = arith.constant 0 : i32
    %dma_start3A_14 = arith.constant 0 : i32
    %dma_start3A_15 = tpu.memref_slice %arg6[%dma_start3A_13, %dma_start3A_14] : memref<1000x128xf32, #tpu.memory_space<hbm>> -> memref<1000x128xf32, #tpu.memory_space<hbm>>
    tpu.enqueue_indirect_dma source(%dma_start3A_15 : memref<1000x128xf32, #tpu.memory_space<hbm>>) target(%arg14 : memref<64x128xf32, #tpu.memory_space<vmem>>) offsets(%dma_start3A_12 : memref<64xi32, #tpu.memory_space<vmem>>) semaphore(%arg21 : memref<!tpu.dma_semaphore, #tpu.memory_space<semaphore_mem>>)
    %dma_start3A_16 = tpu.memref_slice %arg10[%multiple_of3A_4] : memref<512xi32, #tpu.memory_space<vmem>> -> memref<64xi32, #tpu.memory_space<vmem>>
    %dma_start3A_17 = arith.constant 0 : i32
    %dma_start3A_18 = arith.constant 0 : i32
    %dma_start3A_19 = tpu.memref_slice %arg7[%dma_start3A_17, %dma_start3A_18] : memref<1000x128xf32, #tpu.memory_space<hbm>> -> memref<1000x128xf32, #tpu.memory_space<hbm>>
    tpu.enqueue_indirect_dma source(%dma_start3A_19 : memref<1000x128xf32, #tpu.memory_space<hbm>>) target(%arg15 : memref<64x128xf32, #tpu.memory_space<vmem>>) offsets(%dma_start3A_16 : memref<64xi32, #tpu.memory_space<vmem>>) semaphore(%arg21 : memref<!tpu.dma_semaphore, #tpu.memory_space<semaphore_mem>>)
    %iota3A = tpu.iota {dimensions = array<i32: 0>} : vector<16xi32>
    %scan3A = arith.constant 0 : i32
    %scan3A_20 = arith.constant 0 : i32
    %scan3A_21 = arith.constant 4 : i32
    %scan3A_22 = arith.addi %scan3A_20, %scan3A_21 : i32
    %scan3A_23 = arith.constant 1 : i32
    scf.for %scan3A_25 = %scan3A_20 to %scan3A_22 step %scan3A_23  : i32 {
      %mul3A_26 = arith.constant 2 : i32
      %mul3A_27 = arith.muli %mul3A_26, %scan3A_25 : i32
      %add3A_28 = arith.constant 0 : i32
      %add3A_29 = arith.addi %mul3A_27, %add3A_28 : i32
      %add3A_30 = arith.constant 1 : i32
      %add3A_31 = arith.addi %add3A_29, %add3A_30 : i32
      %lt3A = arith.constant 8 : i32
      %lt3A_32 = arith.cmpi slt, %add3A_31, %lt3A : i32
      %convert_element_type3A = arith.extui %lt3A_32 : i1 to i32
      %cond3A = arith.constant 0 : i32
      %cond3A_33 = arith.cmpi ne, %convert_element_type3A, %cond3A : i32
      scf.if %cond3A_33 {
        %add3A_445 = arith.constant 1 : i32
        %add3A_446 = arith.addi %add3A_29, %add3A_445 : i32
        %mul3A_447 = arith.constant 64 : i32
        %mul3A_448 = arith.muli %add3A_446, %mul3A_447 : i32
        %multiple_of3A_449 = tpu.assume_multiple %mul3A_448, 64 : i32
        %dma_start3A_450 = tpu.memref_slice %arg9[%multiple_of3A_449] : memref<512xi32, #tpu.memory_space<vmem>> -> memref<64xi32, #tpu.memory_space<vmem>>
        %dma_start3A_451 = arith.constant 0 : i32
        %dma_start3A_452 = arith.constant 0 : i32
        %dma_start3A_453 = tpu.memref_slice %arg5[%dma_start3A_451, %dma_start3A_452] : memref<100000x128xf32, #tpu.memory_space<hbm>> -> memref<100000x128xf32, #tpu.memory_space<hbm>>
        tpu.enqueue_indirect_dma source(%dma_start3A_453 : memref<100000x128xf32, #tpu.memory_space<hbm>>) target(%arg16 : memref<64x128xf32, #tpu.memory_space<vmem>>) offsets(%dma_start3A_450 : memref<64xi32, #tpu.memory_space<vmem>>) semaphore(%arg22 : memref<!tpu.dma_semaphore, #tpu.memory_space<semaphore_mem>>)
        %dma_start3A_454 = tpu.memref_slice %arg11[%multiple_of3A_449] : memref<512xi32, #tpu.memory_space<vmem>> -> memref<64xi32, #tpu.memory_space<vmem>>
        %dma_start3A_455 = arith.constant 0 : i32
        %dma_start3A_456 = arith.constant 0 : i32
        %dma_start3A_457 = tpu.memref_slice %arg5[%dma_start3A_455, %dma_start3A_456] : memref<100000x128xf32, #tpu.memory_space<hbm>> -> memref<100000x128xf32, #tpu.memory_space<hbm>>
        tpu.enqueue_indirect_dma source(%dma_start3A_457 : memref<100000x128xf32, #tpu.memory_space<hbm>>) target(%arg17 : memref<64x128xf32, #tpu.memory_space<vmem>>) offsets(%dma_start3A_454 : memref<64xi32, #tpu.memory_space<vmem>>) semaphore(%arg22 : memref<!tpu.dma_semaphore, #tpu.memory_space<semaphore_mem>>)
        %dma_start3A_458 = tpu.memref_slice %arg10[%multiple_of3A_449] : memref<512xi32, #tpu.memory_space<vmem>> -> memref<64xi32, #tpu.memory_space<vmem>>
        %dma_start3A_459 = arith.constant 0 : i32
        %dma_start3A_460 = arith.constant 0 : i32
        %dma_start3A_461 = tpu.memref_slice %arg6[%dma_start3A_459, %dma_start3A_460] : memref<1000x128xf32, #tpu.memory_space<hbm>> -> memref<1000x128xf32, #tpu.memory_space<hbm>>
        tpu.enqueue_indirect_dma source(%dma_start3A_461 : memref<1000x128xf32, #tpu.memory_space<hbm>>) target(%arg18 : memref<64x128xf32, #tpu.memory_space<vmem>>) offsets(%dma_start3A_458 : memref<64xi32, #tpu.memory_space<vmem>>) semaphore(%arg22 : memref<!tpu.dma_semaphore, #tpu.memory_space<semaphore_mem>>)
        %dma_start3A_462 = tpu.memref_slice %arg10[%multiple_of3A_449] : memref<512xi32, #tpu.memory_space<vmem>> -> memref<64xi32, #tpu.memory_space<vmem>>
        %dma_start3A_463 = arith.constant 0 : i32
        %dma_start3A_464 = arith.constant 0 : i32
        %dma_start3A_465 = tpu.memref_slice %arg7[%dma_start3A_463, %dma_start3A_464] : memref<1000x128xf32, #tpu.memory_space<hbm>> -> memref<1000x128xf32, #tpu.memory_space<hbm>>
        tpu.enqueue_indirect_dma source(%dma_start3A_465 : memref<1000x128xf32, #tpu.memory_space<hbm>>) target(%arg19 : memref<64x128xf32, #tpu.memory_space<vmem>>) offsets(%dma_start3A_462 : memref<64xi32, #tpu.memory_space<vmem>>) semaphore(%arg22 : memref<!tpu.dma_semaphore, #tpu.memory_space<semaphore_mem>>)
      } else {
      }
      %mul3A_34 = arith.constant 64 : i32
      %mul3A_35 = arith.muli %add3A_29, %mul3A_34 : i32
      %multiple_of3A_36 = tpu.assume_multiple %mul3A_35, 64 : i32
      %dma_wait3A = tpu.memref_slice %arg9[%multiple_of3A_36] : memref<512xi32, #tpu.memory_space<vmem>> -> memref<64xi32, #tpu.memory_space<vmem>>
      %dma_wait3A_37 = arith.constant 0 : i32
      %dma_wait3A_38 = arith.constant 0 : i32
      %dma_wait3A_39 = tpu.memref_slice %arg5[%dma_wait3A_37, %dma_wait3A_38] : memref<100000x128xf32, #tpu.memory_space<hbm>> -> memref<100000x128xf32, #tpu.memory_space<hbm>>
      tpu.wait_indirect_dma semaphore(%arg21 : memref<!tpu.dma_semaphore, #tpu.memory_space<semaphore_mem>>) src(%dma_wait3A_39 : memref<100000x128xf32, #tpu.memory_space<hbm>>) dst(%arg12 : memref<64x128xf32, #tpu.memory_space<vmem>>)
      %dma_wait3A_40 = tpu.memref_slice %arg11[%multiple_of3A_36] : memref<512xi32, #tpu.memory_space<vmem>> -> memref<64xi32, #tpu.memory_space<vmem>>
      %dma_wait3A_41 = arith.constant 0 : i32
      %dma_wait3A_42 = arith.constant 0 : i32
      %dma_wait3A_43 = tpu.memref_slice %arg5[%dma_wait3A_41, %dma_wait3A_42] : memref<100000x128xf32, #tpu.memory_space<hbm>> -> memref<100000x128xf32, #tpu.memory_space<hbm>>
      tpu.wait_indirect_dma semaphore(%arg21 : memref<!tpu.dma_semaphore, #tpu.memory_space<semaphore_mem>>) src(%dma_wait3A_43 : memref<100000x128xf32, #tpu.memory_space<hbm>>) dst(%arg13 : memref<64x128xf32, #tpu.memory_space<vmem>>)
      %dma_wait3A_44 = tpu.memref_slice %arg10[%multiple_of3A_36] : memref<512xi32, #tpu.memory_space<vmem>> -> memref<64xi32, #tpu.memory_space<vmem>>
      %dma_wait3A_45 = arith.constant 0 : i32
      %dma_wait3A_46 = arith.constant 0 : i32
      %dma_wait3A_47 = tpu.memref_slice %arg6[%dma_wait3A_45, %dma_wait3A_46] : memref<1000x128xf32, #tpu.memory_space<hbm>> -> memref<1000x128xf32, #tpu.memory_space<hbm>>
      tpu.wait_indirect_dma semaphore(%arg21 : memref<!tpu.dma_semaphore, #tpu.memory_space<semaphore_mem>>) src(%dma_wait3A_47 : memref<1000x128xf32, #tpu.memory_space<hbm>>) dst(%arg14 : memref<64x128xf32, #tpu.memory_space<vmem>>)
      %dma_wait3A_48 = tpu.memref_slice %arg10[%multiple_of3A_36] : memref<512xi32, #tpu.memory_space<vmem>> -> memref<64xi32, #tpu.memory_space<vmem>>
      %dma_wait3A_49 = arith.constant 0 : i32
      %dma_wait3A_50 = arith.constant 0 : i32
      %dma_wait3A_51 = tpu.memref_slice %arg7[%dma_wait3A_49, %dma_wait3A_50] : memref<1000x128xf32, #tpu.memory_space<hbm>> -> memref<1000x128xf32, #tpu.memory_space<hbm>>
      tpu.wait_indirect_dma semaphore(%arg21 : memref<!tpu.dma_semaphore, #tpu.memory_space<semaphore_mem>>) src(%dma_wait3A_51 : memref<1000x128xf32, #tpu.memory_space<hbm>>) dst(%arg15 : memref<64x128xf32, #tpu.memory_space<vmem>>)
      %add3A_52 = arith.constant 0 : i32
      %add3A_53 = vector.broadcast %add3A_52 : i32 to vector<16xi32>
      %add3A_54 = arith.addi %iota3A, %add3A_53 : vector<16xi32>
      %broadcast_in_dim3A = arith.constant 0.000000e+00 : f32
      %broadcast_in_dim3A_55 = vector.broadcast %broadcast_in_dim3A : f32 to vector<16xf32>
      %scan3A_56 = arith.constant 0 : i32
      %scan3A_57 = arith.constant 32 : i32
      %scan3A_58 = arith.addi %scan3A_56, %scan3A_57 : i32
      %scan3A_59 = arith.constant 1 : i32
      %scan3A_60:6 = scf.for %scan3A_445 = %scan3A_56 to %scan3A_58 step %scan3A_59 iter_args(%scan3A_446 = %broadcast_in_dim3A_55, %scan3A_447 = %broadcast_in_dim3A_55, %scan3A_448 = %broadcast_in_dim3A_55, %scan3A_449 = %broadcast_in_dim3A_55, %scan3A_450 = %broadcast_in_dim3A_55, %scan3A_451 = %broadcast_in_dim3A_55) -> (vector<16xf32>, vector<16xf32>, vector<16xf32>, vector<16xf32>, vector<16xf32>, vector<16xf32>)  : i32 {
        %mul3A_452 = arith.constant 2 : i32
        %mul3A_453 = arith.muli %mul3A_452, %scan3A_445 : i32
        %add3A_454 = vector.broadcast %mul3A_453 : i32 to vector<16xi32>
        %add3A_455 = arith.addi %iota3A, %add3A_454 : vector<16xi32>
        %add3A_456 = arith.constant 0 : i32
        %add3A_457 = vector.broadcast %add3A_456 : i32 to vector<16xi32>
        %add3A_458 = arith.addi %add3A_455, %add3A_457 : vector<16xi32>
        %and3A = arith.constant 63 : i32
        %and3A_459 = vector.broadcast %and3A : i32 to vector<16xi32>
        %and3A_460 = arith.andi %add3A_458, %and3A_459 : vector<16xi32>
        %add3A_461 = arith.constant 64 : i32
        %add3A_462 = vector.broadcast %add3A_461 : i32 to vector<16xi32>
        %add3A_463 = arith.addi %and3A_460, %add3A_462 : vector<16xi32>
        %gather3A = tpu.vector_load_idx %arg12[%add3A_54, %and3A_460] : memref<64x128xf32, #tpu.memory_space<vmem>>[vector<16xi32>, vector<16xi32>], vector<16xf32>,
        %gather3A_464 = tpu.vector_load_idx %arg12[%add3A_54, %add3A_463] : memref<64x128xf32, #tpu.memory_space<vmem>>[vector<16xi32>, vector<16xi32>], vector<16xf32>,
        %gather3A_465 = tpu.vector_load_idx %arg13[%add3A_54, %and3A_460] : memref<64x128xf32, #tpu.memory_space<vmem>>[vector<16xi32>, vector<16xi32>], vector<16xf32>,
        %gather3A_466 = tpu.vector_load_idx %arg13[%add3A_54, %add3A_463] : memref<64x128xf32, #tpu.memory_space<vmem>>[vector<16xi32>, vector<16xi32>], vector<16xf32>,
        %gather3A_467 = tpu.vector_load_idx %arg14[%add3A_54, %and3A_460] : memref<64x128xf32, #tpu.memory_space<vmem>>[vector<16xi32>, vector<16xi32>], vector<16xf32>,
        %gather3A_468 = tpu.vector_load_idx %arg15[%add3A_54, %and3A_460] : memref<64x128xf32, #tpu.memory_space<vmem>>[vector<16xi32>, vector<16xi32>], vector<16xf32>,
        %gather3A_469 = tpu.vector_load_idx %arg15[%add3A_54, %add3A_463] : memref<64x128xf32, #tpu.memory_space<vmem>>[vector<16xi32>, vector<16xi32>], vector<16xf32>,
        %mul3A_470 = arith.mulf %gather3A, %gather3A_467 : vector<16xf32>
        %mul3A_471 = arith.mulf %mul3A_470, %gather3A_465 : vector<16xf32>
        %add3A_472 = arith.addf %scan3A_446, %mul3A_471 : vector<16xf32>
        %mul3A_473 = arith.mulf %gather3A_464, %gather3A_468 : vector<16xf32>
        %add3A_474 = arith.addf %scan3A_447, %mul3A_473 : vector<16xf32>
        %mul3A_475 = arith.mulf %gather3A_466, %gather3A_469 : vector<16xf32>
        %add3A_476 = arith.addf %scan3A_448, %mul3A_475 : vector<16xf32>
        %mul3A_477 = arith.constant 2 : i32
        %mul3A_478 = arith.muli %mul3A_477, %scan3A_445 : i32
        %add3A_479 = vector.broadcast %mul3A_478 : i32 to vector<16xi32>
        %add3A_480 = arith.addi %iota3A, %add3A_479 : vector<16xi32>
        %add3A_481 = arith.constant 1 : i32
        %add3A_482 = vector.broadcast %add3A_481 : i32 to vector<16xi32>
        %add3A_483 = arith.addi %add3A_480, %add3A_482 : vector<16xi32>
        %and3A_484 = arith.constant 63 : i32
        %and3A_485 = vector.broadcast %and3A_484 : i32 to vector<16xi32>
        %and3A_486 = arith.andi %add3A_483, %and3A_485 : vector<16xi32>
        %add3A_487 = arith.constant 64 : i32
        %add3A_488 = vector.broadcast %add3A_487 : i32 to vector<16xi32>
        %add3A_489 = arith.addi %and3A_486, %add3A_488 : vector<16xi32>
        %gather3A_490 = tpu.vector_load_idx %arg12[%add3A_54, %and3A_486] : memref<64x128xf32, #tpu.memory_space<vmem>>[vector<16xi32>, vector<16xi32>], vector<16xf32>,
        %gather3A_491 = tpu.vector_load_idx %arg12[%add3A_54, %add3A_489] : memref<64x128xf32, #tpu.memory_space<vmem>>[vector<16xi32>, vector<16xi32>], vector<16xf32>,
        %gather3A_492 = tpu.vector_load_idx %arg13[%add3A_54, %and3A_486] : memref<64x128xf32, #tpu.memory_space<vmem>>[vector<16xi32>, vector<16xi32>], vector<16xf32>,
        %gather3A_493 = tpu.vector_load_idx %arg13[%add3A_54, %add3A_489] : memref<64x128xf32, #tpu.memory_space<vmem>>[vector<16xi32>, vector<16xi32>], vector<16xf32>,
        %gather3A_494 = tpu.vector_load_idx %arg14[%add3A_54, %and3A_486] : memref<64x128xf32, #tpu.memory_space<vmem>>[vector<16xi32>, vector<16xi32>], vector<16xf32>,
        %gather3A_495 = tpu.vector_load_idx %arg15[%add3A_54, %and3A_486] : memref<64x128xf32, #tpu.memory_space<vmem>>[vector<16xi32>, vector<16xi32>], vector<16xf32>,
        %gather3A_496 = tpu.vector_load_idx %arg15[%add3A_54, %add3A_489] : memref<64x128xf32, #tpu.memory_space<vmem>>[vector<16xi32>, vector<16xi32>], vector<16xf32>,
        %mul3A_497 = arith.mulf %gather3A_490, %gather3A_494 : vector<16xf32>
        %mul3A_498 = arith.mulf %mul3A_497, %gather3A_492 : vector<16xf32>
        %add3A_499 = arith.addf %scan3A_449, %mul3A_498 : vector<16xf32>
        %mul3A_500 = arith.mulf %gather3A_491, %gather3A_495 : vector<16xf32>
        %add3A_501 = arith.addf %scan3A_450, %mul3A_500 : vector<16xf32>
        %mul3A_502 = arith.mulf %gather3A_493, %gather3A_496 : vector<16xf32>
        %add3A_503 = arith.addf %scan3A_451, %mul3A_502 : vector<16xf32>
        scf.yield %add3A_472, %add3A_474, %add3A_476, %add3A_499, %add3A_501, %add3A_503 : vector<16xf32>, vector<16xf32>, vector<16xf32>, vector<16xf32>, vector<16xf32>, vector<16xf32>
      }
      %scan3A_61 = arith.constant 32 : i32
      %add3A_62 = arith.addf %scan3A_60#0, %scan3A_60#3 : vector<16xf32>
      %add3A_63 = arith.addf %scan3A_60#1, %scan3A_60#4 : vector<16xf32>
      %add3A_64 = arith.addf %scan3A_60#2, %scan3A_60#5 : vector<16xf32>
      %neg3A = arith.constant 0.000000e+00 : f32
      %neg3A_65 = vector.broadcast %neg3A : f32 to vector<16xf32>
      %neg3A_66 = arith.subf %neg3A_65, %add3A_62 : vector<16xf32>
      %exp3A = math.exp %neg3A_66 : vector<16xf32>
      %add3A_67 = arith.constant 1.000000e+00 : f32
      %add3A_68 = vector.broadcast %add3A_67 : f32 to vector<16xf32>
      %add3A_69 = arith.addf %add3A_68, %exp3A : vector<16xf32>
      %div3A = arith.constant 2.000000e+01 : f32
      %div3A_70 = vector.broadcast %div3A : f32 to vector<16xf32>
      %div3A_71 = arith.divf %div3A_70, %add3A_69 : vector<16xf32>
      %neg3A_72 = arith.constant 0.000000e+00 : f32
      %neg3A_73 = vector.broadcast %neg3A_72 : f32 to vector<16xf32>
      %neg3A_74 = arith.subf %neg3A_73, %add3A_63 : vector<16xf32>
      %exp3A_75 = math.exp %neg3A_74 : vector<16xf32>
      %add3A_76 = arith.constant 1.000000e+00 : f32
      %add3A_77 = vector.broadcast %add3A_76 : f32 to vector<16xf32>
      %add3A_78 = arith.addf %add3A_77, %exp3A_75 : vector<16xf32>
      %div3A_79 = arith.divf %div3A_71, %add3A_78 : vector<16xf32>
      %neg3A_80 = arith.constant 0.000000e+00 : f32
      %neg3A_81 = vector.broadcast %neg3A_80 : f32 to vector<16xf32>
      %neg3A_82 = arith.subf %neg3A_81, %add3A_64 : vector<16xf32>
      %exp3A_83 = math.exp %neg3A_82 : vector<16xf32>
      %add3A_84 = arith.constant 1.000000e+00 : f32
      %add3A_85 = vector.broadcast %add3A_84 : f32 to vector<16xf32>
      %add3A_86 = arith.addf %add3A_85, %exp3A_83 : vector<16xf32>
      %div3A_87 = arith.divf %div3A_79, %add3A_86 : vector<16xf32>
      %mul3A_88 = arith.constant 64 : i32
      %mul3A_89 = arith.muli %add3A_29, %mul3A_88 : i32
      %add3A_90 = arith.constant 0 : i32
      %add3A_91 = arith.addi %mul3A_89, %add3A_90 : i32
      %swap3A = arith.index_cast %add3A_91 : i32 to index
      %swap3A_92 = tpu.vector_load %arg20[%swap3A] {strides = array<i32>} : memref<512xf32, #tpu.memory_space<vmem>>, vector<16xf32>,
      tpu.vector_store %arg20[%swap3A], %div3A_87 {strides = array<i32>} : memref<512xf32, #tpu.memory_space<vmem>>, vector<16xf32>,
      %add3A_93 = arith.constant 16 : i32
      %add3A_94 = vector.broadcast %add3A_93 : i32 to vector<16xi32>
      %add3A_95 = arith.addi %iota3A, %add3A_94 : vector<16xi32>
      %broadcast_in_dim3A_96 = arith.constant 0.000000e+00 : f32
      %broadcast_in_dim3A_97 = vector.broadcast %broadcast_in_dim3A_96 : f32 to vector<16xf32>
      %scan3A_98 = arith.constant 0 : i32
      %scan3A_99 = arith.constant 32 : i32
      %scan3A_100 = arith.addi %scan3A_98, %scan3A_99 : i32
      %scan3A_101 = arith.constant 1 : i32
      %scan3A_102:6 = scf.for %scan3A_445 = %scan3A_98 to %scan3A_100 step %scan3A_101 iter_args(%scan3A_446 = %broadcast_in_dim3A_97, %scan3A_447 = %broadcast_in_dim3A_97, %scan3A_448 = %broadcast_in_dim3A_97, %scan3A_449 = %broadcast_in_dim3A_97, %scan3A_450 = %broadcast_in_dim3A_97, %scan3A_451 = %broadcast_in_dim3A_97) -> (vector<16xf32>, vector<16xf32>, vector<16xf32>, vector<16xf32>, vector<16xf32>, vector<16xf32>)  : i32 {
        %mul3A_452 = arith.constant 2 : i32
        %mul3A_453 = arith.muli %mul3A_452, %scan3A_445 : i32
        %add3A_454 = vector.broadcast %mul3A_453 : i32 to vector<16xi32>
        %add3A_455 = arith.addi %iota3A, %add3A_454 : vector<16xi32>
        %add3A_456 = arith.constant 0 : i32
        %add3A_457 = vector.broadcast %add3A_456 : i32 to vector<16xi32>
        %add3A_458 = arith.addi %add3A_455, %add3A_457 : vector<16xi32>
        %and3A = arith.constant 63 : i32
        %and3A_459 = vector.broadcast %and3A : i32 to vector<16xi32>
        %and3A_460 = arith.andi %add3A_458, %and3A_459 : vector<16xi32>
        %add3A_461 = arith.constant 64 : i32
        %add3A_462 = vector.broadcast %add3A_461 : i32 to vector<16xi32>
        %add3A_463 = arith.addi %and3A_460, %add3A_462 : vector<16xi32>
        %gather3A = tpu.vector_load_idx %arg12[%add3A_95, %and3A_460] : memref<64x128xf32, #tpu.memory_space<vmem>>[vector<16xi32>, vector<16xi32>], vector<16xf32>,
        %gather3A_464 = tpu.vector_load_idx %arg12[%add3A_95, %add3A_463] : memref<64x128xf32, #tpu.memory_space<vmem>>[vector<16xi32>, vector<16xi32>], vector<16xf32>,
        %gather3A_465 = tpu.vector_load_idx %arg13[%add3A_95, %and3A_460] : memref<64x128xf32, #tpu.memory_space<vmem>>[vector<16xi32>, vector<16xi32>], vector<16xf32>,
        %gather3A_466 = tpu.vector_load_idx %arg13[%add3A_95, %add3A_463] : memref<64x128xf32, #tpu.memory_space<vmem>>[vector<16xi32>, vector<16xi32>], vector<16xf32>,
        %gather3A_467 = tpu.vector_load_idx %arg14[%add3A_95, %and3A_460] : memref<64x128xf32, #tpu.memory_space<vmem>>[vector<16xi32>, vector<16xi32>], vector<16xf32>,
        %gather3A_468 = tpu.vector_load_idx %arg15[%add3A_95, %and3A_460] : memref<64x128xf32, #tpu.memory_space<vmem>>[vector<16xi32>, vector<16xi32>], vector<16xf32>,
        %gather3A_469 = tpu.vector_load_idx %arg15[%add3A_95, %add3A_463] : memref<64x128xf32, #tpu.memory_space<vmem>>[vector<16xi32>, vector<16xi32>], vector<16xf32>,
        %mul3A_470 = arith.mulf %gather3A, %gather3A_467 : vector<16xf32>
        %mul3A_471 = arith.mulf %mul3A_470, %gather3A_465 : vector<16xf32>
        %add3A_472 = arith.addf %scan3A_446, %mul3A_471 : vector<16xf32>
        %mul3A_473 = arith.mulf %gather3A_464, %gather3A_468 : vector<16xf32>
        %add3A_474 = arith.addf %scan3A_447, %mul3A_473 : vector<16xf32>
        %mul3A_475 = arith.mulf %gather3A_466, %gather3A_469 : vector<16xf32>
        %add3A_476 = arith.addf %scan3A_448, %mul3A_475 : vector<16xf32>
        %mul3A_477 = arith.constant 2 : i32
        %mul3A_478 = arith.muli %mul3A_477, %scan3A_445 : i32
        %add3A_479 = vector.broadcast %mul3A_478 : i32 to vector<16xi32>
        %add3A_480 = arith.addi %iota3A, %add3A_479 : vector<16xi32>
        %add3A_481 = arith.constant 1 : i32
        %add3A_482 = vector.broadcast %add3A_481 : i32 to vector<16xi32>
        %add3A_483 = arith.addi %add3A_480, %add3A_482 : vector<16xi32>
        %and3A_484 = arith.constant 63 : i32
        %and3A_485 = vector.broadcast %and3A_484 : i32 to vector<16xi32>
        %and3A_486 = arith.andi %add3A_483, %and3A_485 : vector<16xi32>
        %add3A_487 = arith.constant 64 : i32
        %add3A_488 = vector.broadcast %add3A_487 : i32 to vector<16xi32>
        %add3A_489 = arith.addi %and3A_486, %add3A_488 : vector<16xi32>
        %gather3A_490 = tpu.vector_load_idx %arg12[%add3A_95, %and3A_486] : memref<64x128xf32, #tpu.memory_space<vmem>>[vector<16xi32>, vector<16xi32>], vector<16xf32>,
        %gather3A_491 = tpu.vector_load_idx %arg12[%add3A_95, %add3A_489] : memref<64x128xf32, #tpu.memory_space<vmem>>[vector<16xi32>, vector<16xi32>], vector<16xf32>,
        %gather3A_492 = tpu.vector_load_idx %arg13[%add3A_95, %and3A_486] : memref<64x128xf32, #tpu.memory_space<vmem>>[vector<16xi32>, vector<16xi32>], vector<16xf32>,
        %gather3A_493 = tpu.vector_load_idx %arg13[%add3A_95, %add3A_489] : memref<64x128xf32, #tpu.memory_space<vmem>>[vector<16xi32>, vector<16xi32>], vector<16xf32>,
        %gather3A_494 = tpu.vector_load_idx %arg14[%add3A_95, %and3A_486] : memref<64x128xf32, #tpu.memory_space<vmem>>[vector<16xi32>, vector<16xi32>], vector<16xf32>,
        %gather3A_495 = tpu.vector_load_idx %arg15[%add3A_95, %and3A_486] : memref<64x128xf32, #tpu.memory_space<vmem>>[vector<16xi32>, vector<16xi32>], vector<16xf32>,
        %gather3A_496 = tpu.vector_load_idx %arg15[%add3A_95, %add3A_489] : memref<64x128xf32, #tpu.memory_space<vmem>>[vector<16xi32>, vector<16xi32>], vector<16xf32>,
        %mul3A_497 = arith.mulf %gather3A_490, %gather3A_494 : vector<16xf32>
        %mul3A_498 = arith.mulf %mul3A_497, %gather3A_492 : vector<16xf32>
        %add3A_499 = arith.addf %scan3A_449, %mul3A_498 : vector<16xf32>
        %mul3A_500 = arith.mulf %gather3A_491, %gather3A_495 : vector<16xf32>
        %add3A_501 = arith.addf %scan3A_450, %mul3A_500 : vector<16xf32>
        %mul3A_502 = arith.mulf %gather3A_493, %gather3A_496 : vector<16xf32>
        %add3A_503 = arith.addf %scan3A_451, %mul3A_502 : vector<16xf32>
        scf.yield %add3A_472, %add3A_474, %add3A_476, %add3A_499, %add3A_501, %add3A_503 : vector<16xf32>, vector<16xf32>, vector<16xf32>, vector<16xf32>, vector<16xf32>, vector<16xf32>
      }
      %scan3A_103 = arith.constant 32 : i32
      %add3A_104 = arith.addf %scan3A_102#0, %scan3A_102#3 : vector<16xf32>
      %add3A_105 = arith.addf %scan3A_102#1, %scan3A_102#4 : vector<16xf32>
      %add3A_106 = arith.addf %scan3A_102#2, %scan3A_102#5 : vector<16xf32>
      %neg3A_107 = arith.constant 0.000000e+00 : f32
      %neg3A_108 = vector.broadcast %neg3A_107 : f32 to vector<16xf32>
      %neg3A_109 = arith.subf %neg3A_108, %add3A_104 : vector<16xf32>
      %exp3A_110 = math.exp %neg3A_109 : vector<16xf32>
      %add3A_111 = arith.constant 1.000000e+00 : f32
      %add3A_112 = vector.broadcast %add3A_111 : f32 to vector<16xf32>
      %add3A_113 = arith.addf %add3A_112, %exp3A_110 : vector<16xf32>
      %div3A_114 = arith.constant 2.000000e+01 : f32
      %div3A_115 = vector.broadcast %div3A_114 : f32 to vector<16xf32>
      %div3A_116 = arith.divf %div3A_115, %add3A_113 : vector<16xf32>
      %neg3A_117 = arith.constant 0.000000e+00 : f32
      %neg3A_118 = vector.broadcast %neg3A_117 : f32 to vector<16xf32>
      %neg3A_119 = arith.subf %neg3A_118, %add3A_105 : vector<16xf32>
      %exp3A_120 = math.exp %neg3A_119 : vector<16xf32>
      %add3A_121 = arith.constant 1.000000e+00 : f32
      %add3A_122 = vector.broadcast %add3A_121 : f32 to vector<16xf32>
      %add3A_123 = arith.addf %add3A_122, %exp3A_120 : vector<16xf32>
      %div3A_124 = arith.divf %div3A_116, %add3A_123 : vector<16xf32>
      %neg3A_125 = arith.constant 0.000000e+00 : f32
      %neg3A_126 = vector.broadcast %neg3A_125 : f32 to vector<16xf32>
      %neg3A_127 = arith.subf %neg3A_126, %add3A_106 : vector<16xf32>
      %exp3A_128 = math.exp %neg3A_127 : vector<16xf32>
      %add3A_129 = arith.constant 1.000000e+00 : f32
      %add3A_130 = vector.broadcast %add3A_129 : f32 to vector<16xf32>
      %add3A_131 = arith.addf %add3A_130, %exp3A_128 : vector<16xf32>
      %div3A_132 = arith.divf %div3A_124, %add3A_131 : vector<16xf32>
      %mul3A_133 = arith.constant 64 : i32
      %mul3A_134 = arith.muli %add3A_29, %mul3A_133 : i32
      %add3A_135 = arith.constant 16 : i32
      %add3A_136 = arith.addi %mul3A_134, %add3A_135 : i32
      %swap3A_137 = arith.index_cast %add3A_136 : i32 to index
      %swap3A_138 = tpu.vector_load %arg20[%swap3A_137] {strides = array<i32>} : memref<512xf32, #tpu.memory_space<vmem>>, vector<16xf32>,
      tpu.vector_store %arg20[%swap3A_137], %div3A_132 {strides = array<i32>} : memref<512xf32, #tpu.memory_space<vmem>>, vector<16xf32>,
      %add3A_139 = arith.constant 32 : i32
      %add3A_140 = vector.broadcast %add3A_139 : i32 to vector<16xi32>
      %add3A_141 = arith.addi %iota3A, %add3A_140 : vector<16xi32>
      %broadcast_in_dim3A_142 = arith.constant 0.000000e+00 : f32
      %broadcast_in_dim3A_143 = vector.broadcast %broadcast_in_dim3A_142 : f32 to vector<16xf32>
      %scan3A_144 = arith.constant 0 : i32
      %scan3A_145 = arith.constant 32 : i32
      %scan3A_146 = arith.addi %scan3A_144, %scan3A_145 : i32
      %scan3A_147 = arith.constant 1 : i32
      %scan3A_148:6 = scf.for %scan3A_445 = %scan3A_144 to %scan3A_146 step %scan3A_147 iter_args(%scan3A_446 = %broadcast_in_dim3A_143, %scan3A_447 = %broadcast_in_dim3A_143, %scan3A_448 = %broadcast_in_dim3A_143, %scan3A_449 = %broadcast_in_dim3A_143, %scan3A_450 = %broadcast_in_dim3A_143, %scan3A_451 = %broadcast_in_dim3A_143) -> (vector<16xf32>, vector<16xf32>, vector<16xf32>, vector<16xf32>, vector<16xf32>, vector<16xf32>)  : i32 {
        %mul3A_452 = arith.constant 2 : i32
        %mul3A_453 = arith.muli %mul3A_452, %scan3A_445 : i32
        %add3A_454 = vector.broadcast %mul3A_453 : i32 to vector<16xi32>
        %add3A_455 = arith.addi %iota3A, %add3A_454 : vector<16xi32>
        %add3A_456 = arith.constant 0 : i32
        %add3A_457 = vector.broadcast %add3A_456 : i32 to vector<16xi32>
        %add3A_458 = arith.addi %add3A_455, %add3A_457 : vector<16xi32>
        %and3A = arith.constant 63 : i32
        %and3A_459 = vector.broadcast %and3A : i32 to vector<16xi32>
        %and3A_460 = arith.andi %add3A_458, %and3A_459 : vector<16xi32>
        %add3A_461 = arith.constant 64 : i32
        %add3A_462 = vector.broadcast %add3A_461 : i32 to vector<16xi32>
        %add3A_463 = arith.addi %and3A_460, %add3A_462 : vector<16xi32>
        %gather3A = tpu.vector_load_idx %arg12[%add3A_141, %and3A_460] : memref<64x128xf32, #tpu.memory_space<vmem>>[vector<16xi32>, vector<16xi32>], vector<16xf32>,
        %gather3A_464 = tpu.vector_load_idx %arg12[%add3A_141, %add3A_463] : memref<64x128xf32, #tpu.memory_space<vmem>>[vector<16xi32>, vector<16xi32>], vector<16xf32>,
        %gather3A_465 = tpu.vector_load_idx %arg13[%add3A_141, %and3A_460] : memref<64x128xf32, #tpu.memory_space<vmem>>[vector<16xi32>, vector<16xi32>], vector<16xf32>,
        %gather3A_466 = tpu.vector_load_idx %arg13[%add3A_141, %add3A_463] : memref<64x128xf32, #tpu.memory_space<vmem>>[vector<16xi32>, vector<16xi32>], vector<16xf32>,
        %gather3A_467 = tpu.vector_load_idx %arg14[%add3A_141, %and3A_460] : memref<64x128xf32, #tpu.memory_space<vmem>>[vector<16xi32>, vector<16xi32>], vector<16xf32>,
        %gather3A_468 = tpu.vector_load_idx %arg15[%add3A_141, %and3A_460] : memref<64x128xf32, #tpu.memory_space<vmem>>[vector<16xi32>, vector<16xi32>], vector<16xf32>,
        %gather3A_469 = tpu.vector_load_idx %arg15[%add3A_141, %add3A_463] : memref<64x128xf32, #tpu.memory_space<vmem>>[vector<16xi32>, vector<16xi32>], vector<16xf32>,
        %mul3A_470 = arith.mulf %gather3A, %gather3A_467 : vector<16xf32>
        %mul3A_471 = arith.mulf %mul3A_470, %gather3A_465 : vector<16xf32>
        %add3A_472 = arith.addf %scan3A_446, %mul3A_471 : vector<16xf32>
        %mul3A_473 = arith.mulf %gather3A_464, %gather3A_468 : vector<16xf32>
        %add3A_474 = arith.addf %scan3A_447, %mul3A_473 : vector<16xf32>
        %mul3A_475 = arith.mulf %gather3A_466, %gather3A_469 : vector<16xf32>
        %add3A_476 = arith.addf %scan3A_448, %mul3A_475 : vector<16xf32>
        %mul3A_477 = arith.constant 2 : i32
        %mul3A_478 = arith.muli %mul3A_477, %scan3A_445 : i32
        %add3A_479 = vector.broadcast %mul3A_478 : i32 to vector<16xi32>
        %add3A_480 = arith.addi %iota3A, %add3A_479 : vector<16xi32>
        %add3A_481 = arith.constant 1 : i32
        %add3A_482 = vector.broadcast %add3A_481 : i32 to vector<16xi32>
        %add3A_483 = arith.addi %add3A_480, %add3A_482 : vector<16xi32>
        %and3A_484 = arith.constant 63 : i32
        %and3A_485 = vector.broadcast %and3A_484 : i32 to vector<16xi32>
        %and3A_486 = arith.andi %add3A_483, %and3A_485 : vector<16xi32>
        %add3A_487 = arith.constant 64 : i32
        %add3A_488 = vector.broadcast %add3A_487 : i32 to vector<16xi32>
        %add3A_489 = arith.addi %and3A_486, %add3A_488 : vector<16xi32>
        %gather3A_490 = tpu.vector_load_idx %arg12[%add3A_141, %and3A_486] : memref<64x128xf32, #tpu.memory_space<vmem>>[vector<16xi32>, vector<16xi32>], vector<16xf32>,
        %gather3A_491 = tpu.vector_load_idx %arg12[%add3A_141, %add3A_489] : memref<64x128xf32, #tpu.memory_space<vmem>>[vector<16xi32>, vector<16xi32>], vector<16xf32>,
        %gather3A_492 = tpu.vector_load_idx %arg13[%add3A_141, %and3A_486] : memref<64x128xf32, #tpu.memory_space<vmem>>[vector<16xi32>, vector<16xi32>], vector<16xf32>,
        %gather3A_493 = tpu.vector_load_idx %arg13[%add3A_141, %add3A_489] : memref<64x128xf32, #tpu.memory_space<vmem>>[vector<16xi32>, vector<16xi32>], vector<16xf32>,
        %gather3A_494 = tpu.vector_load_idx %arg14[%add3A_141, %and3A_486] : memref<64x128xf32, #tpu.memory_space<vmem>>[vector<16xi32>, vector<16xi32>], vector<16xf32>,
        %gather3A_495 = tpu.vector_load_idx %arg15[%add3A_141, %and3A_486] : memref<64x128xf32, #tpu.memory_space<vmem>>[vector<16xi32>, vector<16xi32>], vector<16xf32>,
        %gather3A_496 = tpu.vector_load_idx %arg15[%add3A_141, %add3A_489] : memref<64x128xf32, #tpu.memory_space<vmem>>[vector<16xi32>, vector<16xi32>], vector<16xf32>,
        %mul3A_497 = arith.mulf %gather3A_490, %gather3A_494 : vector<16xf32>
        %mul3A_498 = arith.mulf %mul3A_497, %gather3A_492 : vector<16xf32>
        %add3A_499 = arith.addf %scan3A_449, %mul3A_498 : vector<16xf32>
        %mul3A_500 = arith.mulf %gather3A_491, %gather3A_495 : vector<16xf32>
        %add3A_501 = arith.addf %scan3A_450, %mul3A_500 : vector<16xf32>
        %mul3A_502 = arith.mulf %gather3A_493, %gather3A_496 : vector<16xf32>
        %add3A_503 = arith.addf %scan3A_451, %mul3A_502 : vector<16xf32>
        scf.yield %add3A_472, %add3A_474, %add3A_476, %add3A_499, %add3A_501, %add3A_503 : vector<16xf32>, vector<16xf32>, vector<16xf32>, vector<16xf32>, vector<16xf32>, vector<16xf32>
      }
      %scan3A_149 = arith.constant 32 : i32
      %add3A_150 = arith.addf %scan3A_148#0, %scan3A_148#3 : vector<16xf32>
      %add3A_151 = arith.addf %scan3A_148#1, %scan3A_148#4 : vector<16xf32>
      %add3A_152 = arith.addf %scan3A_148#2, %scan3A_148#5 : vector<16xf32>
      %neg3A_153 = arith.constant 0.000000e+00 : f32
      %neg3A_154 = vector.broadcast %neg3A_153 : f32 to vector<16xf32>
      %neg3A_155 = arith.subf %neg3A_154, %add3A_150 : vector<16xf32>
      %exp3A_156 = math.exp %neg3A_155 : vector<16xf32>
      %add3A_157 = arith.constant 1.000000e+00 : f32
      %add3A_158 = vector.broadcast %add3A_157 : f32 to vector<16xf32>
      %add3A_159 = arith.addf %add3A_158, %exp3A_156 : vector<16xf32>
      %div3A_160 = arith.constant 2.000000e+01 : f32
      %div3A_161 = vector.broadcast %div3A_160 : f32 to vector<16xf32>
      %div3A_162 = arith.divf %div3A_161, %add3A_159 : vector<16xf32>
      %neg3A_163 = arith.constant 0.000000e+00 : f32
      %neg3A_164 = vector.broadcast %neg3A_163 : f32 to vector<16xf32>
      %neg3A_165 = arith.subf %neg3A_164, %add3A_151 : vector<16xf32>
      %exp3A_166 = math.exp %neg3A_165 : vector<16xf32>
      %add3A_167 = arith.constant 1.000000e+00 : f32
      %add3A_168 = vector.broadcast %add3A_167 : f32 to vector<16xf32>
      %add3A_169 = arith.addf %add3A_168, %exp3A_166 : vector<16xf32>
      %div3A_170 = arith.divf %div3A_162, %add3A_169 : vector<16xf32>
      %neg3A_171 = arith.constant 0.000000e+00 : f32
      %neg3A_172 = vector.broadcast %neg3A_171 : f32 to vector<16xf32>
      %neg3A_173 = arith.subf %neg3A_172, %add3A_152 : vector<16xf32>
      %exp3A_174 = math.exp %neg3A_173 : vector<16xf32>
      %add3A_175 = arith.constant 1.000000e+00 : f32
      %add3A_176 = vector.broadcast %add3A_175 : f32 to vector<16xf32>
      %add3A_177 = arith.addf %add3A_176, %exp3A_174 : vector<16xf32>
      %div3A_178 = arith.divf %div3A_170, %add3A_177 : vector<16xf32>
      %mul3A_179 = arith.constant 64 : i32
      %mul3A_180 = arith.muli %add3A_29, %mul3A_179 : i32
      %add3A_181 = arith.constant 32 : i32
      %add3A_182 = arith.addi %mul3A_180, %add3A_181 : i32
      %swap3A_183 = arith.index_cast %add3A_182 : i32 to index
      %swap3A_184 = tpu.vector_load %arg20[%swap3A_183] {strides = array<i32>} : memref<512xf32, #tpu.memory_space<vmem>>, vector<16xf32>,
      tpu.vector_store %arg20[%swap3A_183], %div3A_178 {strides = array<i32>} : memref<512xf32, #tpu.memory_space<vmem>>, vector<16xf32>,
      %add3A_185 = arith.constant 48 : i32
      %add3A_186 = vector.broadcast %add3A_185 : i32 to vector<16xi32>
      %add3A_187 = arith.addi %iota3A, %add3A_186 : vector<16xi32>
      %broadcast_in_dim3A_188 = arith.constant 0.000000e+00 : f32
      %broadcast_in_dim3A_189 = vector.broadcast %broadcast_in_dim3A_188 : f32 to vector<16xf32>
      %scan3A_190 = arith.constant 0 : i32
      %scan3A_191 = arith.constant 32 : i32
      %scan3A_192 = arith.addi %scan3A_190, %scan3A_191 : i32
      %scan3A_193 = arith.constant 1 : i32
      %scan3A_194:6 = scf.for %scan3A_445 = %scan3A_190 to %scan3A_192 step %scan3A_193 iter_args(%scan3A_446 = %broadcast_in_dim3A_189, %scan3A_447 = %broadcast_in_dim3A_189, %scan3A_448 = %broadcast_in_dim3A_189, %scan3A_449 = %broadcast_in_dim3A_189, %scan3A_450 = %broadcast_in_dim3A_189, %scan3A_451 = %broadcast_in_dim3A_189) -> (vector<16xf32>, vector<16xf32>, vector<16xf32>, vector<16xf32>, vector<16xf32>, vector<16xf32>)  : i32 {
        %mul3A_452 = arith.constant 2 : i32
        %mul3A_453 = arith.muli %mul3A_452, %scan3A_445 : i32
        %add3A_454 = vector.broadcast %mul3A_453 : i32 to vector<16xi32>
        %add3A_455 = arith.addi %iota3A, %add3A_454 : vector<16xi32>
        %add3A_456 = arith.constant 0 : i32
        %add3A_457 = vector.broadcast %add3A_456 : i32 to vector<16xi32>
        %add3A_458 = arith.addi %add3A_455, %add3A_457 : vector<16xi32>
        %and3A = arith.constant 63 : i32
        %and3A_459 = vector.broadcast %and3A : i32 to vector<16xi32>
        %and3A_460 = arith.andi %add3A_458, %and3A_459 : vector<16xi32>
        %add3A_461 = arith.constant 64 : i32
        %add3A_462 = vector.broadcast %add3A_461 : i32 to vector<16xi32>
        %add3A_463 = arith.addi %and3A_460, %add3A_462 : vector<16xi32>
        %gather3A = tpu.vector_load_idx %arg12[%add3A_187, %and3A_460] : memref<64x128xf32, #tpu.memory_space<vmem>>[vector<16xi32>, vector<16xi32>], vector<16xf32>,
        %gather3A_464 = tpu.vector_load_idx %arg12[%add3A_187, %add3A_463] : memref<64x128xf32, #tpu.memory_space<vmem>>[vector<16xi32>, vector<16xi32>], vector<16xf32>,
        %gather3A_465 = tpu.vector_load_idx %arg13[%add3A_187, %and3A_460] : memref<64x128xf32, #tpu.memory_space<vmem>>[vector<16xi32>, vector<16xi32>], vector<16xf32>,
        %gather3A_466 = tpu.vector_load_idx %arg13[%add3A_187, %add3A_463] : memref<64x128xf32, #tpu.memory_space<vmem>>[vector<16xi32>, vector<16xi32>], vector<16xf32>,
        %gather3A_467 = tpu.vector_load_idx %arg14[%add3A_187, %and3A_460] : memref<64x128xf32, #tpu.memory_space<vmem>>[vector<16xi32>, vector<16xi32>], vector<16xf32>,
        %gather3A_468 = tpu.vector_load_idx %arg15[%add3A_187, %and3A_460] : memref<64x128xf32, #tpu.memory_space<vmem>>[vector<16xi32>, vector<16xi32>], vector<16xf32>,
        %gather3A_469 = tpu.vector_load_idx %arg15[%add3A_187, %add3A_463] : memref<64x128xf32, #tpu.memory_space<vmem>>[vector<16xi32>, vector<16xi32>], vector<16xf32>,
        %mul3A_470 = arith.mulf %gather3A, %gather3A_467 : vector<16xf32>
        %mul3A_471 = arith.mulf %mul3A_470, %gather3A_465 : vector<16xf32>
        %add3A_472 = arith.addf %scan3A_446, %mul3A_471 : vector<16xf32>
        %mul3A_473 = arith.mulf %gather3A_464, %gather3A_468 : vector<16xf32>
        %add3A_474 = arith.addf %scan3A_447, %mul3A_473 : vector<16xf32>
        %mul3A_475 = arith.mulf %gather3A_466, %gather3A_469 : vector<16xf32>
        %add3A_476 = arith.addf %scan3A_448, %mul3A_475 : vector<16xf32>
        %mul3A_477 = arith.constant 2 : i32
        %mul3A_478 = arith.muli %mul3A_477, %scan3A_445 : i32
        %add3A_479 = vector.broadcast %mul3A_478 : i32 to vector<16xi32>
        %add3A_480 = arith.addi %iota3A, %add3A_479 : vector<16xi32>
        %add3A_481 = arith.constant 1 : i32
        %add3A_482 = vector.broadcast %add3A_481 : i32 to vector<16xi32>
        %add3A_483 = arith.addi %add3A_480, %add3A_482 : vector<16xi32>
        %and3A_484 = arith.constant 63 : i32
        %and3A_485 = vector.broadcast %and3A_484 : i32 to vector<16xi32>
        %and3A_486 = arith.andi %add3A_483, %and3A_485 : vector<16xi32>
        %add3A_487 = arith.constant 64 : i32
        %add3A_488 = vector.broadcast %add3A_487 : i32 to vector<16xi32>
        %add3A_489 = arith.addi %and3A_486, %add3A_488 : vector<16xi32>
        %gather3A_490 = tpu.vector_load_idx %arg12[%add3A_187, %and3A_486] : memref<64x128xf32, #tpu.memory_space<vmem>>[vector<16xi32>, vector<16xi32>], vector<16xf32>,
        %gather3A_491 = tpu.vector_load_idx %arg12[%add3A_187, %add3A_489] : memref<64x128xf32, #tpu.memory_space<vmem>>[vector<16xi32>, vector<16xi32>], vector<16xf32>,
        %gather3A_492 = tpu.vector_load_idx %arg13[%add3A_187, %and3A_486] : memref<64x128xf32, #tpu.memory_space<vmem>>[vector<16xi32>, vector<16xi32>], vector<16xf32>,
        %gather3A_493 = tpu.vector_load_idx %arg13[%add3A_187, %add3A_489] : memref<64x128xf32, #tpu.memory_space<vmem>>[vector<16xi32>, vector<16xi32>], vector<16xf32>,
        %gather3A_494 = tpu.vector_load_idx %arg14[%add3A_187, %and3A_486] : memref<64x128xf32, #tpu.memory_space<vmem>>[vector<16xi32>, vector<16xi32>], vector<16xf32>,
        %gather3A_495 = tpu.vector_load_idx %arg15[%add3A_187, %and3A_486] : memref<64x128xf32, #tpu.memory_space<vmem>>[vector<16xi32>, vector<16xi32>], vector<16xf32>,
        %gather3A_496 = tpu.vector_load_idx %arg15[%add3A_187, %add3A_489] : memref<64x128xf32, #tpu.memory_space<vmem>>[vector<16xi32>, vector<16xi32>], vector<16xf32>,
        %mul3A_497 = arith.mulf %gather3A_490, %gather3A_494 : vector<16xf32>
        %mul3A_498 = arith.mulf %mul3A_497, %gather3A_492 : vector<16xf32>
        %add3A_499 = arith.addf %scan3A_449, %mul3A_498 : vector<16xf32>
        %mul3A_500 = arith.mulf %gather3A_491, %gather3A_495 : vector<16xf32>
        %add3A_501 = arith.addf %scan3A_450, %mul3A_500 : vector<16xf32>
        %mul3A_502 = arith.mulf %gather3A_493, %gather3A_496 : vector<16xf32>
        %add3A_503 = arith.addf %scan3A_451, %mul3A_502 : vector<16xf32>
        scf.yield %add3A_472, %add3A_474, %add3A_476, %add3A_499, %add3A_501, %add3A_503 : vector<16xf32>, vector<16xf32>, vector<16xf32>, vector<16xf32>, vector<16xf32>, vector<16xf32>
      }
      %scan3A_195 = arith.constant 32 : i32
      %add3A_196 = arith.addf %scan3A_194#0, %scan3A_194#3 : vector<16xf32>
      %add3A_197 = arith.addf %scan3A_194#1, %scan3A_194#4 : vector<16xf32>
      %add3A_198 = arith.addf %scan3A_194#2, %scan3A_194#5 : vector<16xf32>
      %neg3A_199 = arith.constant 0.000000e+00 : f32
      %neg3A_200 = vector.broadcast %neg3A_199 : f32 to vector<16xf32>
      %neg3A_201 = arith.subf %neg3A_200, %add3A_196 : vector<16xf32>
      %exp3A_202 = math.exp %neg3A_201 : vector<16xf32>
      %add3A_203 = arith.constant 1.000000e+00 : f32
      %add3A_204 = vector.broadcast %add3A_203 : f32 to vector<16xf32>
      %add3A_205 = arith.addf %add3A_204, %exp3A_202 : vector<16xf32>
      %div3A_206 = arith.constant 2.000000e+01 : f32
      %div3A_207 = vector.broadcast %div3A_206 : f32 to vector<16xf32>
      %div3A_208 = arith.divf %div3A_207, %add3A_205 : vector<16xf32>
      %neg3A_209 = arith.constant 0.000000e+00 : f32
      %neg3A_210 = vector.broadcast %neg3A_209 : f32 to vector<16xf32>
      %neg3A_211 = arith.subf %neg3A_210, %add3A_197 : vector<16xf32>
      %exp3A_212 = math.exp %neg3A_211 : vector<16xf32>
      %add3A_213 = arith.constant 1.000000e+00 : f32
      %add3A_214 = vector.broadcast %add3A_213 : f32 to vector<16xf32>
      %add3A_215 = arith.addf %add3A_214, %exp3A_212 : vector<16xf32>
      %div3A_216 = arith.divf %div3A_208, %add3A_215 : vector<16xf32>
      %neg3A_217 = arith.constant 0.000000e+00 : f32
      %neg3A_218 = vector.broadcast %neg3A_217 : f32 to vector<16xf32>
      %neg3A_219 = arith.subf %neg3A_218, %add3A_198 : vector<16xf32>
      %exp3A_220 = math.exp %neg3A_219 : vector<16xf32>
      %add3A_221 = arith.constant 1.000000e+00 : f32
      %add3A_222 = vector.broadcast %add3A_221 : f32 to vector<16xf32>
      %add3A_223 = arith.addf %add3A_222, %exp3A_220 : vector<16xf32>
      %div3A_224 = arith.divf %div3A_216, %add3A_223 : vector<16xf32>
      %mul3A_225 = arith.constant 64 : i32
      %mul3A_226 = arith.muli %add3A_29, %mul3A_225 : i32
      %add3A_227 = arith.constant 48 : i32
      %add3A_228 = arith.addi %mul3A_226, %add3A_227 : i32
      %swap3A_229 = arith.index_cast %add3A_228 : i32 to index
      %swap3A_230 = tpu.vector_load %arg20[%swap3A_229] {strides = array<i32>} : memref<512xf32, #tpu.memory_space<vmem>>, vector<16xf32>,
      tpu.vector_store %arg20[%swap3A_229], %div3A_224 {strides = array<i32>} : memref<512xf32, #tpu.memory_space<vmem>>, vector<16xf32>,
      %mul3A_231 = arith.constant 2 : i32
      %mul3A_232 = arith.muli %mul3A_231, %scan3A_25 : i32
      %add3A_233 = arith.constant 1 : i32
      %add3A_234 = arith.addi %mul3A_232, %add3A_233 : i32
      %add3A_235 = arith.constant 1 : i32
      %add3A_236 = arith.addi %add3A_234, %add3A_235 : i32
      %lt3A_237 = arith.constant 8 : i32
      %lt3A_238 = arith.cmpi slt, %add3A_236, %lt3A_237 : i32
      %convert_element_type3A_239 = arith.extui %lt3A_238 : i1 to i32
      %cond3A_240 = arith.constant 0 : i32
      %cond3A_241 = arith.cmpi ne, %convert_element_type3A_239, %cond3A_240 : i32
      scf.if %cond3A_241 {
        %add3A_445 = arith.constant 1 : i32
        %add3A_446 = arith.addi %add3A_234, %add3A_445 : i32
        %mul3A_447 = arith.constant 64 : i32
        %mul3A_448 = arith.muli %add3A_446, %mul3A_447 : i32
        %multiple_of3A_449 = tpu.assume_multiple %mul3A_448, 64 : i32
        %dma_start3A_450 = tpu.memref_slice %arg9[%multiple_of3A_449] : memref<512xi32, #tpu.memory_space<vmem>> -> memref<64xi32, #tpu.memory_space<vmem>>
        %dma_start3A_451 = arith.constant 0 : i32
        %dma_start3A_452 = arith.constant 0 : i32
        %dma_start3A_453 = tpu.memref_slice %arg5[%dma_start3A_451, %dma_start3A_452] : memref<100000x128xf32, #tpu.memory_space<hbm>> -> memref<100000x128xf32, #tpu.memory_space<hbm>>
        tpu.enqueue_indirect_dma source(%dma_start3A_453 : memref<100000x128xf32, #tpu.memory_space<hbm>>) target(%arg12 : memref<64x128xf32, #tpu.memory_space<vmem>>) offsets(%dma_start3A_450 : memref<64xi32, #tpu.memory_space<vmem>>) semaphore(%arg21 : memref<!tpu.dma_semaphore, #tpu.memory_space<semaphore_mem>>)
        %dma_start3A_454 = tpu.memref_slice %arg11[%multiple_of3A_449] : memref<512xi32, #tpu.memory_space<vmem>> -> memref<64xi32, #tpu.memory_space<vmem>>
        %dma_start3A_455 = arith.constant 0 : i32
        %dma_start3A_456 = arith.constant 0 : i32
        %dma_start3A_457 = tpu.memref_slice %arg5[%dma_start3A_455, %dma_start3A_456] : memref<100000x128xf32, #tpu.memory_space<hbm>> -> memref<100000x128xf32, #tpu.memory_space<hbm>>
        tpu.enqueue_indirect_dma source(%dma_start3A_457 : memref<100000x128xf32, #tpu.memory_space<hbm>>) target(%arg13 : memref<64x128xf32, #tpu.memory_space<vmem>>) offsets(%dma_start3A_454 : memref<64xi32, #tpu.memory_space<vmem>>) semaphore(%arg21 : memref<!tpu.dma_semaphore, #tpu.memory_space<semaphore_mem>>)
        %dma_start3A_458 = tpu.memref_slice %arg10[%multiple_of3A_449] : memref<512xi32, #tpu.memory_space<vmem>> -> memref<64xi32, #tpu.memory_space<vmem>>
        %dma_start3A_459 = arith.constant 0 : i32
        %dma_start3A_460 = arith.constant 0 : i32
        %dma_start3A_461 = tpu.memref_slice %arg6[%dma_start3A_459, %dma_start3A_460] : memref<1000x128xf32, #tpu.memory_space<hbm>> -> memref<1000x128xf32, #tpu.memory_space<hbm>>
        tpu.enqueue_indirect_dma source(%dma_start3A_461 : memref<1000x128xf32, #tpu.memory_space<hbm>>) target(%arg14 : memref<64x128xf32, #tpu.memory_space<vmem>>) offsets(%dma_start3A_458 : memref<64xi32, #tpu.memory_space<vmem>>) semaphore(%arg21 : memref<!tpu.dma_semaphore, #tpu.memory_space<semaphore_mem>>)
        %dma_start3A_462 = tpu.memref_slice %arg10[%multiple_of3A_449] : memref<512xi32, #tpu.memory_space<vmem>> -> memref<64xi32, #tpu.memory_space<vmem>>
        %dma_start3A_463 = arith.constant 0 : i32
        %dma_start3A_464 = arith.constant 0 : i32
        %dma_start3A_465 = tpu.memref_slice %arg7[%dma_start3A_463, %dma_start3A_464] : memref<1000x128xf32, #tpu.memory_space<hbm>> -> memref<1000x128xf32, #tpu.memory_space<hbm>>
        tpu.enqueue_indirect_dma source(%dma_start3A_465 : memref<1000x128xf32, #tpu.memory_space<hbm>>) target(%arg15 : memref<64x128xf32, #tpu.memory_space<vmem>>) offsets(%dma_start3A_462 : memref<64xi32, #tpu.memory_space<vmem>>) semaphore(%arg21 : memref<!tpu.dma_semaphore, #tpu.memory_space<semaphore_mem>>)
      } else {
      }
      %mul3A_242 = arith.constant 64 : i32
      %mul3A_243 = arith.muli %add3A_234, %mul3A_242 : i32
      %multiple_of3A_244 = tpu.assume_multiple %mul3A_243, 64 : i32
      %dma_wait3A_245 = tpu.memref_slice %arg9[%multiple_of3A_244] : memref<512xi32, #tpu.memory_space<vmem>> -> memref<64xi32, #tpu.memory_space<vmem>>
      %dma_wait3A_246 = arith.constant 0 : i32
      %dma_wait3A_247 = arith.constant 0 : i32
      %dma_wait3A_248 = tpu.memref_slice %arg5[%dma_wait3A_246, %dma_wait3A_247] : memref<100000x128xf32, #tpu.memory_space<hbm>> -> memref<100000x128xf32, #tpu.memory_space<hbm>>
      tpu.wait_indirect_dma semaphore(%arg22 : memref<!tpu.dma_semaphore, #tpu.memory_space<semaphore_mem>>) src(%dma_wait3A_248 : memref<100000x128xf32, #tpu.memory_space<hbm>>) dst(%arg16 : memref<64x128xf32, #tpu.memory_space<vmem>>)
      %dma_wait3A_249 = tpu.memref_slice %arg11[%multiple_of3A_244] : memref<512xi32, #tpu.memory_space<vmem>> -> memref<64xi32, #tpu.memory_space<vmem>>
      %dma_wait3A_250 = arith.constant 0 : i32
      %dma_wait3A_251 = arith.constant 0 : i32
      %dma_wait3A_252 = tpu.memref_slice %arg5[%dma_wait3A_250, %dma_wait3A_251] : memref<100000x128xf32, #tpu.memory_space<hbm>> -> memref<100000x128xf32, #tpu.memory_space<hbm>>
      tpu.wait_indirect_dma semaphore(%arg22 : memref<!tpu.dma_semaphore, #tpu.memory_space<semaphore_mem>>) src(%dma_wait3A_252 : memref<100000x128xf32, #tpu.memory_space<hbm>>) dst(%arg17 : memref<64x128xf32, #tpu.memory_space<vmem>>)
      %dma_wait3A_253 = tpu.memref_slice %arg10[%multiple_of3A_244] : memref<512xi32, #tpu.memory_space<vmem>> -> memref<64xi32, #tpu.memory_space<vmem>>
      %dma_wait3A_254 = arith.constant 0 : i32
      %dma_wait3A_255 = arith.constant 0 : i32
      %dma_wait3A_256 = tpu.memref_slice %arg6[%dma_wait3A_254, %dma_wait3A_255] : memref<1000x128xf32, #tpu.memory_space<hbm>> -> memref<1000x128xf32, #tpu.memory_space<hbm>>
      tpu.wait_indirect_dma semaphore(%arg22 : memref<!tpu.dma_semaphore, #tpu.memory_space<semaphore_mem>>) src(%dma_wait3A_256 : memref<1000x128xf32, #tpu.memory_space<hbm>>) dst(%arg18 : memref<64x128xf32, #tpu.memory_space<vmem>>)
      %dma_wait3A_257 = tpu.memref_slice %arg10[%multiple_of3A_244] : memref<512xi32, #tpu.memory_space<vmem>> -> memref<64xi32, #tpu.memory_space<vmem>>
      %dma_wait3A_258 = arith.constant 0 : i32
      %dma_wait3A_259 = arith.constant 0 : i32
      %dma_wait3A_260 = tpu.memref_slice %arg7[%dma_wait3A_258, %dma_wait3A_259] : memref<1000x128xf32, #tpu.memory_space<hbm>> -> memref<1000x128xf32, #tpu.memory_space<hbm>>
      tpu.wait_indirect_dma semaphore(%arg22 : memref<!tpu.dma_semaphore, #tpu.memory_space<semaphore_mem>>) src(%dma_wait3A_260 : memref<1000x128xf32, #tpu.memory_space<hbm>>) dst(%arg19 : memref<64x128xf32, #tpu.memory_space<vmem>>)
      %add3A_261 = arith.constant 0 : i32
      %add3A_262 = vector.broadcast %add3A_261 : i32 to vector<16xi32>
      %add3A_263 = arith.addi %iota3A, %add3A_262 : vector<16xi32>
      %broadcast_in_dim3A_264 = arith.constant 0.000000e+00 : f32
      %broadcast_in_dim3A_265 = vector.broadcast %broadcast_in_dim3A_264 : f32 to vector<16xf32>
      %scan3A_266 = arith.constant 0 : i32
      %scan3A_267 = arith.constant 32 : i32
      %scan3A_268 = arith.addi %scan3A_266, %scan3A_267 : i32
      %scan3A_269 = arith.constant 1 : i32
      %scan3A_270:6 = scf.for %scan3A_445 = %scan3A_266 to %scan3A_268 step %scan3A_269 iter_args(%scan3A_446 = %broadcast_in_dim3A_265, %scan3A_447 = %broadcast_in_dim3A_265, %scan3A_448 = %broadcast_in_dim3A_265, %scan3A_449 = %broadcast_in_dim3A_265, %scan3A_450 = %broadcast_in_dim3A_265, %scan3A_451 = %broadcast_in_dim3A_265) -> (vector<16xf32>, vector<16xf32>, vector<16xf32>, vector<16xf32>, vector<16xf32>, vector<16xf32>)  : i32 {
        %mul3A_452 = arith.constant 2 : i32
        %mul3A_453 = arith.muli %mul3A_452, %scan3A_445 : i32
        %add3A_454 = vector.broadcast %mul3A_453 : i32 to vector<16xi32>
        %add3A_455 = arith.addi %iota3A, %add3A_454 : vector<16xi32>
        %add3A_456 = arith.constant 0 : i32
        %add3A_457 = vector.broadcast %add3A_456 : i32 to vector<16xi32>
        %add3A_458 = arith.addi %add3A_455, %add3A_457 : vector<16xi32>
        %and3A = arith.constant 63 : i32
        %and3A_459 = vector.broadcast %and3A : i32 to vector<16xi32>
        %and3A_460 = arith.andi %add3A_458, %and3A_459 : vector<16xi32>
        %add3A_461 = arith.constant 64 : i32
        %add3A_462 = vector.broadcast %add3A_461 : i32 to vector<16xi32>
        %add3A_463 = arith.addi %and3A_460, %add3A_462 : vector<16xi32>
        %gather3A = tpu.vector_load_idx %arg16[%add3A_263, %and3A_460] : memref<64x128xf32, #tpu.memory_space<vmem>>[vector<16xi32>, vector<16xi32>], vector<16xf32>,
        %gather3A_464 = tpu.vector_load_idx %arg16[%add3A_263, %add3A_463] : memref<64x128xf32, #tpu.memory_space<vmem>>[vector<16xi32>, vector<16xi32>], vector<16xf32>,
        %gather3A_465 = tpu.vector_load_idx %arg17[%add3A_263, %and3A_460] : memref<64x128xf32, #tpu.memory_space<vmem>>[vector<16xi32>, vector<16xi32>], vector<16xf32>,
        %gather3A_466 = tpu.vector_load_idx %arg17[%add3A_263, %add3A_463] : memref<64x128xf32, #tpu.memory_space<vmem>>[vector<16xi32>, vector<16xi32>], vector<16xf32>,
        %gather3A_467 = tpu.vector_load_idx %arg18[%add3A_263, %and3A_460] : memref<64x128xf32, #tpu.memory_space<vmem>>[vector<16xi32>, vector<16xi32>], vector<16xf32>,
        %gather3A_468 = tpu.vector_load_idx %arg19[%add3A_263, %and3A_460] : memref<64x128xf32, #tpu.memory_space<vmem>>[vector<16xi32>, vector<16xi32>], vector<16xf32>,
        %gather3A_469 = tpu.vector_load_idx %arg19[%add3A_263, %add3A_463] : memref<64x128xf32, #tpu.memory_space<vmem>>[vector<16xi32>, vector<16xi32>], vector<16xf32>,
        %mul3A_470 = arith.mulf %gather3A, %gather3A_467 : vector<16xf32>
        %mul3A_471 = arith.mulf %mul3A_470, %gather3A_465 : vector<16xf32>
        %add3A_472 = arith.addf %scan3A_446, %mul3A_471 : vector<16xf32>
        %mul3A_473 = arith.mulf %gather3A_464, %gather3A_468 : vector<16xf32>
        %add3A_474 = arith.addf %scan3A_447, %mul3A_473 : vector<16xf32>
        %mul3A_475 = arith.mulf %gather3A_466, %gather3A_469 : vector<16xf32>
        %add3A_476 = arith.addf %scan3A_448, %mul3A_475 : vector<16xf32>
        %mul3A_477 = arith.constant 2 : i32
        %mul3A_478 = arith.muli %mul3A_477, %scan3A_445 : i32
        %add3A_479 = vector.broadcast %mul3A_478 : i32 to vector<16xi32>
        %add3A_480 = arith.addi %iota3A, %add3A_479 : vector<16xi32>
        %add3A_481 = arith.constant 1 : i32
        %add3A_482 = vector.broadcast %add3A_481 : i32 to vector<16xi32>
        %add3A_483 = arith.addi %add3A_480, %add3A_482 : vector<16xi32>
        %and3A_484 = arith.constant 63 : i32
        %and3A_485 = vector.broadcast %and3A_484 : i32 to vector<16xi32>
        %and3A_486 = arith.andi %add3A_483, %and3A_485 : vector<16xi32>
        %add3A_487 = arith.constant 64 : i32
        %add3A_488 = vector.broadcast %add3A_487 : i32 to vector<16xi32>
        %add3A_489 = arith.addi %and3A_486, %add3A_488 : vector<16xi32>
        %gather3A_490 = tpu.vector_load_idx %arg16[%add3A_263, %and3A_486] : memref<64x128xf32, #tpu.memory_space<vmem>>[vector<16xi32>, vector<16xi32>], vector<16xf32>,
        %gather3A_491 = tpu.vector_load_idx %arg16[%add3A_263, %add3A_489] : memref<64x128xf32, #tpu.memory_space<vmem>>[vector<16xi32>, vector<16xi32>], vector<16xf32>,
        %gather3A_492 = tpu.vector_load_idx %arg17[%add3A_263, %and3A_486] : memref<64x128xf32, #tpu.memory_space<vmem>>[vector<16xi32>, vector<16xi32>], vector<16xf32>,
        %gather3A_493 = tpu.vector_load_idx %arg17[%add3A_263, %add3A_489] : memref<64x128xf32, #tpu.memory_space<vmem>>[vector<16xi32>, vector<16xi32>], vector<16xf32>,
        %gather3A_494 = tpu.vector_load_idx %arg18[%add3A_263, %and3A_486] : memref<64x128xf32, #tpu.memory_space<vmem>>[vector<16xi32>, vector<16xi32>], vector<16xf32>,
        %gather3A_495 = tpu.vector_load_idx %arg19[%add3A_263, %and3A_486] : memref<64x128xf32, #tpu.memory_space<vmem>>[vector<16xi32>, vector<16xi32>], vector<16xf32>,
        %gather3A_496 = tpu.vector_load_idx %arg19[%add3A_263, %add3A_489] : memref<64x128xf32, #tpu.memory_space<vmem>>[vector<16xi32>, vector<16xi32>], vector<16xf32>,
        %mul3A_497 = arith.mulf %gather3A_490, %gather3A_494 : vector<16xf32>
        %mul3A_498 = arith.mulf %mul3A_497, %gather3A_492 : vector<16xf32>
        %add3A_499 = arith.addf %scan3A_449, %mul3A_498 : vector<16xf32>
        %mul3A_500 = arith.mulf %gather3A_491, %gather3A_495 : vector<16xf32>
        %add3A_501 = arith.addf %scan3A_450, %mul3A_500 : vector<16xf32>
        %mul3A_502 = arith.mulf %gather3A_493, %gather3A_496 : vector<16xf32>
        %add3A_503 = arith.addf %scan3A_451, %mul3A_502 : vector<16xf32>
        scf.yield %add3A_472, %add3A_474, %add3A_476, %add3A_499, %add3A_501, %add3A_503 : vector<16xf32>, vector<16xf32>, vector<16xf32>, vector<16xf32>, vector<16xf32>, vector<16xf32>
      }
      %scan3A_271 = arith.constant 32 : i32
      %add3A_272 = arith.addf %scan3A_270#0, %scan3A_270#3 : vector<16xf32>
      %add3A_273 = arith.addf %scan3A_270#1, %scan3A_270#4 : vector<16xf32>
      %add3A_274 = arith.addf %scan3A_270#2, %scan3A_270#5 : vector<16xf32>
      %neg3A_275 = arith.constant 0.000000e+00 : f32
      %neg3A_276 = vector.broadcast %neg3A_275 : f32 to vector<16xf32>
      %neg3A_277 = arith.subf %neg3A_276, %add3A_272 : vector<16xf32>
      %exp3A_278 = math.exp %neg3A_277 : vector<16xf32>
      %add3A_279 = arith.constant 1.000000e+00 : f32
      %add3A_280 = vector.broadcast %add3A_279 : f32 to vector<16xf32>
      %add3A_281 = arith.addf %add3A_280, %exp3A_278 : vector<16xf32>
      %div3A_282 = arith.constant 2.000000e+01 : f32
      %div3A_283 = vector.broadcast %div3A_282 : f32 to vector<16xf32>
      %div3A_284 = arith.divf %div3A_283, %add3A_281 : vector<16xf32>
      %neg3A_285 = arith.constant 0.000000e+00 : f32
      %neg3A_286 = vector.broadcast %neg3A_285 : f32 to vector<16xf32>
      %neg3A_287 = arith.subf %neg3A_286, %add3A_273 : vector<16xf32>
      %exp3A_288 = math.exp %neg3A_287 : vector<16xf32>
      %add3A_289 = arith.constant 1.000000e+00 : f32
      %add3A_290 = vector.broadcast %add3A_289 : f32 to vector<16xf32>
      %add3A_291 = arith.addf %add3A_290, %exp3A_288 : vector<16xf32>
      %div3A_292 = arith.divf %div3A_284, %add3A_291 : vector<16xf32>
      %neg3A_293 = arith.constant 0.000000e+00 : f32
      %neg3A_294 = vector.broadcast %neg3A_293 : f32 to vector<16xf32>
      %neg3A_295 = arith.subf %neg3A_294, %add3A_274 : vector<16xf32>
      %exp3A_296 = math.exp %neg3A_295 : vector<16xf32>
      %add3A_297 = arith.constant 1.000000e+00 : f32
      %add3A_298 = vector.broadcast %add3A_297 : f32 to vector<16xf32>
      %add3A_299 = arith.addf %add3A_298, %exp3A_296 : vector<16xf32>
      %div3A_300 = arith.divf %div3A_292, %add3A_299 : vector<16xf32>
      %mul3A_301 = arith.constant 64 : i32
      %mul3A_302 = arith.muli %add3A_234, %mul3A_301 : i32
      %add3A_303 = arith.constant 0 : i32
      %add3A_304 = arith.addi %mul3A_302, %add3A_303 : i32
      %swap3A_305 = arith.index_cast %add3A_304 : i32 to index
      %swap3A_306 = tpu.vector_load %arg20[%swap3A_305] {strides = array<i32>} : memref<512xf32, #tpu.memory_space<vmem>>, vector<16xf32>,
      tpu.vector_store %arg20[%swap3A_305], %div3A_300 {strides = array<i32>} : memref<512xf32, #tpu.memory_space<vmem>>, vector<16xf32>,
      %add3A_307 = arith.constant 16 : i32
      %add3A_308 = vector.broadcast %add3A_307 : i32 to vector<16xi32>
      %add3A_309 = arith.addi %iota3A, %add3A_308 : vector<16xi32>
      %broadcast_in_dim3A_310 = arith.constant 0.000000e+00 : f32
      %broadcast_in_dim3A_311 = vector.broadcast %broadcast_in_dim3A_310 : f32 to vector<16xf32>
      %scan3A_312 = arith.constant 0 : i32
      %scan3A_313 = arith.constant 32 : i32
      %scan3A_314 = arith.addi %scan3A_312, %scan3A_313 : i32
      %scan3A_315 = arith.constant 1 : i32
      %scan3A_316:6 = scf.for %scan3A_445 = %scan3A_312 to %scan3A_314 step %scan3A_315 iter_args(%scan3A_446 = %broadcast_in_dim3A_311, %scan3A_447 = %broadcast_in_dim3A_311, %scan3A_448 = %broadcast_in_dim3A_311, %scan3A_449 = %broadcast_in_dim3A_311, %scan3A_450 = %broadcast_in_dim3A_311, %scan3A_451 = %broadcast_in_dim3A_311) -> (vector<16xf32>, vector<16xf32>, vector<16xf32>, vector<16xf32>, vector<16xf32>, vector<16xf32>)  : i32 {
        %mul3A_452 = arith.constant 2 : i32
        %mul3A_453 = arith.muli %mul3A_452, %scan3A_445 : i32
        %add3A_454 = vector.broadcast %mul3A_453 : i32 to vector<16xi32>
        %add3A_455 = arith.addi %iota3A, %add3A_454 : vector<16xi32>
        %add3A_456 = arith.constant 0 : i32
        %add3A_457 = vector.broadcast %add3A_456 : i32 to vector<16xi32>
        %add3A_458 = arith.addi %add3A_455, %add3A_457 : vector<16xi32>
        %and3A = arith.constant 63 : i32
        %and3A_459 = vector.broadcast %and3A : i32 to vector<16xi32>
        %and3A_460 = arith.andi %add3A_458, %and3A_459 : vector<16xi32>
        %add3A_461 = arith.constant 64 : i32
        %add3A_462 = vector.broadcast %add3A_461 : i32 to vector<16xi32>
        %add3A_463 = arith.addi %and3A_460, %add3A_462 : vector<16xi32>
        %gather3A = tpu.vector_load_idx %arg16[%add3A_309, %and3A_460] : memref<64x128xf32, #tpu.memory_space<vmem>>[vector<16xi32>, vector<16xi32>], vector<16xf32>,
        %gather3A_464 = tpu.vector_load_idx %arg16[%add3A_309, %add3A_463] : memref<64x128xf32, #tpu.memory_space<vmem>>[vector<16xi32>, vector<16xi32>], vector<16xf32>,
        %gather3A_465 = tpu.vector_load_idx %arg17[%add3A_309, %and3A_460] : memref<64x128xf32, #tpu.memory_space<vmem>>[vector<16xi32>, vector<16xi32>], vector<16xf32>,
        %gather3A_466 = tpu.vector_load_idx %arg17[%add3A_309, %add3A_463] : memref<64x128xf32, #tpu.memory_space<vmem>>[vector<16xi32>, vector<16xi32>], vector<16xf32>,
        %gather3A_467 = tpu.vector_load_idx %arg18[%add3A_309, %and3A_460] : memref<64x128xf32, #tpu.memory_space<vmem>>[vector<16xi32>, vector<16xi32>], vector<16xf32>,
        %gather3A_468 = tpu.vector_load_idx %arg19[%add3A_309, %and3A_460] : memref<64x128xf32, #tpu.memory_space<vmem>>[vector<16xi32>, vector<16xi32>], vector<16xf32>,
        %gather3A_469 = tpu.vector_load_idx %arg19[%add3A_309, %add3A_463] : memref<64x128xf32, #tpu.memory_space<vmem>>[vector<16xi32>, vector<16xi32>], vector<16xf32>,
        %mul3A_470 = arith.mulf %gather3A, %gather3A_467 : vector<16xf32>
        %mul3A_471 = arith.mulf %mul3A_470, %gather3A_465 : vector<16xf32>
        %add3A_472 = arith.addf %scan3A_446, %mul3A_471 : vector<16xf32>
        %mul3A_473 = arith.mulf %gather3A_464, %gather3A_468 : vector<16xf32>
        %add3A_474 = arith.addf %scan3A_447, %mul3A_473 : vector<16xf32>
        %mul3A_475 = arith.mulf %gather3A_466, %gather3A_469 : vector<16xf32>
        %add3A_476 = arith.addf %scan3A_448, %mul3A_475 : vector<16xf32>
        %mul3A_477 = arith.constant 2 : i32
        %mul3A_478 = arith.muli %mul3A_477, %scan3A_445 : i32
        %add3A_479 = vector.broadcast %mul3A_478 : i32 to vector<16xi32>
        %add3A_480 = arith.addi %iota3A, %add3A_479 : vector<16xi32>
        %add3A_481 = arith.constant 1 : i32
        %add3A_482 = vector.broadcast %add3A_481 : i32 to vector<16xi32>
        %add3A_483 = arith.addi %add3A_480, %add3A_482 : vector<16xi32>
        %and3A_484 = arith.constant 63 : i32
        %and3A_485 = vector.broadcast %and3A_484 : i32 to vector<16xi32>
        %and3A_486 = arith.andi %add3A_483, %and3A_485 : vector<16xi32>
        %add3A_487 = arith.constant 64 : i32
        %add3A_488 = vector.broadcast %add3A_487 : i32 to vector<16xi32>
        %add3A_489 = arith.addi %and3A_486, %add3A_488 : vector<16xi32>
        %gather3A_490 = tpu.vector_load_idx %arg16[%add3A_309, %and3A_486] : memref<64x128xf32, #tpu.memory_space<vmem>>[vector<16xi32>, vector<16xi32>], vector<16xf32>,
        %gather3A_491 = tpu.vector_load_idx %arg16[%add3A_309, %add3A_489] : memref<64x128xf32, #tpu.memory_space<vmem>>[vector<16xi32>, vector<16xi32>], vector<16xf32>,
        %gather3A_492 = tpu.vector_load_idx %arg17[%add3A_309, %and3A_486] : memref<64x128xf32, #tpu.memory_space<vmem>>[vector<16xi32>, vector<16xi32>], vector<16xf32>,
        %gather3A_493 = tpu.vector_load_idx %arg17[%add3A_309, %add3A_489] : memref<64x128xf32, #tpu.memory_space<vmem>>[vector<16xi32>, vector<16xi32>], vector<16xf32>,
        %gather3A_494 = tpu.vector_load_idx %arg18[%add3A_309, %and3A_486] : memref<64x128xf32, #tpu.memory_space<vmem>>[vector<16xi32>, vector<16xi32>], vector<16xf32>,
        %gather3A_495 = tpu.vector_load_idx %arg19[%add3A_309, %and3A_486] : memref<64x128xf32, #tpu.memory_space<vmem>>[vector<16xi32>, vector<16xi32>], vector<16xf32>,
        %gather3A_496 = tpu.vector_load_idx %arg19[%add3A_309, %add3A_489] : memref<64x128xf32, #tpu.memory_space<vmem>>[vector<16xi32>, vector<16xi32>], vector<16xf32>,
        %mul3A_497 = arith.mulf %gather3A_490, %gather3A_494 : vector<16xf32>
        %mul3A_498 = arith.mulf %mul3A_497, %gather3A_492 : vector<16xf32>
        %add3A_499 = arith.addf %scan3A_449, %mul3A_498 : vector<16xf32>
        %mul3A_500 = arith.mulf %gather3A_491, %gather3A_495 : vector<16xf32>
        %add3A_501 = arith.addf %scan3A_450, %mul3A_500 : vector<16xf32>
        %mul3A_502 = arith.mulf %gather3A_493, %gather3A_496 : vector<16xf32>
        %add3A_503 = arith.addf %scan3A_451, %mul3A_502 : vector<16xf32>
        scf.yield %add3A_472, %add3A_474, %add3A_476, %add3A_499, %add3A_501, %add3A_503 : vector<16xf32>, vector<16xf32>, vector<16xf32>, vector<16xf32>, vector<16xf32>, vector<16xf32>
      }
      %scan3A_317 = arith.constant 32 : i32
      %add3A_318 = arith.addf %scan3A_316#0, %scan3A_316#3 : vector<16xf32>
      %add3A_319 = arith.addf %scan3A_316#1, %scan3A_316#4 : vector<16xf32>
      %add3A_320 = arith.addf %scan3A_316#2, %scan3A_316#5 : vector<16xf32>
      %neg3A_321 = arith.constant 0.000000e+00 : f32
      %neg3A_322 = vector.broadcast %neg3A_321 : f32 to vector<16xf32>
      %neg3A_323 = arith.subf %neg3A_322, %add3A_318 : vector<16xf32>
      %exp3A_324 = math.exp %neg3A_323 : vector<16xf32>
      %add3A_325 = arith.constant 1.000000e+00 : f32
      %add3A_326 = vector.broadcast %add3A_325 : f32 to vector<16xf32>
      %add3A_327 = arith.addf %add3A_326, %exp3A_324 : vector<16xf32>
      %div3A_328 = arith.constant 2.000000e+01 : f32
      %div3A_329 = vector.broadcast %div3A_328 : f32 to vector<16xf32>
      %div3A_330 = arith.divf %div3A_329, %add3A_327 : vector<16xf32>
      %neg3A_331 = arith.constant 0.000000e+00 : f32
      %neg3A_332 = vector.broadcast %neg3A_331 : f32 to vector<16xf32>
      %neg3A_333 = arith.subf %neg3A_332, %add3A_319 : vector<16xf32>
      %exp3A_334 = math.exp %neg3A_333 : vector<16xf32>
      %add3A_335 = arith.constant 1.000000e+00 : f32
      %add3A_336 = vector.broadcast %add3A_335 : f32 to vector<16xf32>
      %add3A_337 = arith.addf %add3A_336, %exp3A_334 : vector<16xf32>
      %div3A_338 = arith.divf %div3A_330, %add3A_337 : vector<16xf32>
      %neg3A_339 = arith.constant 0.000000e+00 : f32
      %neg3A_340 = vector.broadcast %neg3A_339 : f32 to vector<16xf32>
      %neg3A_341 = arith.subf %neg3A_340, %add3A_320 : vector<16xf32>
      %exp3A_342 = math.exp %neg3A_341 : vector<16xf32>
      %add3A_343 = arith.constant 1.000000e+00 : f32
      %add3A_344 = vector.broadcast %add3A_343 : f32 to vector<16xf32>
      %add3A_345 = arith.addf %add3A_344, %exp3A_342 : vector<16xf32>
      %div3A_346 = arith.divf %div3A_338, %add3A_345 : vector<16xf32>
      %mul3A_347 = arith.constant 64 : i32
      %mul3A_348 = arith.muli %add3A_234, %mul3A_347 : i32
      %add3A_349 = arith.constant 16 : i32
      %add3A_350 = arith.addi %mul3A_348, %add3A_349 : i32
      %swap3A_351 = arith.index_cast %add3A_350 : i32 to index
      %swap3A_352 = tpu.vector_load %arg20[%swap3A_351] {strides = array<i32>} : memref<512xf32, #tpu.memory_space<vmem>>, vector<16xf32>,
      tpu.vector_store %arg20[%swap3A_351], %div3A_346 {strides = array<i32>} : memref<512xf32, #tpu.memory_space<vmem>>, vector<16xf32>,
      %add3A_353 = arith.constant 32 : i32
      %add3A_354 = vector.broadcast %add3A_353 : i32 to vector<16xi32>
      %add3A_355 = arith.addi %iota3A, %add3A_354 : vector<16xi32>
      %broadcast_in_dim3A_356 = arith.constant 0.000000e+00 : f32
      %broadcast_in_dim3A_357 = vector.broadcast %broadcast_in_dim3A_356 : f32 to vector<16xf32>
      %scan3A_358 = arith.constant 0 : i32
      %scan3A_359 = arith.constant 32 : i32
      %scan3A_360 = arith.addi %scan3A_358, %scan3A_359 : i32
      %scan3A_361 = arith.constant 1 : i32
      %scan3A_362:6 = scf.for %scan3A_445 = %scan3A_358 to %scan3A_360 step %scan3A_361 iter_args(%scan3A_446 = %broadcast_in_dim3A_357, %scan3A_447 = %broadcast_in_dim3A_357, %scan3A_448 = %broadcast_in_dim3A_357, %scan3A_449 = %broadcast_in_dim3A_357, %scan3A_450 = %broadcast_in_dim3A_357, %scan3A_451 = %broadcast_in_dim3A_357) -> (vector<16xf32>, vector<16xf32>, vector<16xf32>, vector<16xf32>, vector<16xf32>, vector<16xf32>)  : i32 {
        %mul3A_452 = arith.constant 2 : i32
        %mul3A_453 = arith.muli %mul3A_452, %scan3A_445 : i32
        %add3A_454 = vector.broadcast %mul3A_453 : i32 to vector<16xi32>
        %add3A_455 = arith.addi %iota3A, %add3A_454 : vector<16xi32>
        %add3A_456 = arith.constant 0 : i32
        %add3A_457 = vector.broadcast %add3A_456 : i32 to vector<16xi32>
        %add3A_458 = arith.addi %add3A_455, %add3A_457 : vector<16xi32>
        %and3A = arith.constant 63 : i32
        %and3A_459 = vector.broadcast %and3A : i32 to vector<16xi32>
        %and3A_460 = arith.andi %add3A_458, %and3A_459 : vector<16xi32>
        %add3A_461 = arith.constant 64 : i32
        %add3A_462 = vector.broadcast %add3A_461 : i32 to vector<16xi32>
        %add3A_463 = arith.addi %and3A_460, %add3A_462 : vector<16xi32>
        %gather3A = tpu.vector_load_idx %arg16[%add3A_355, %and3A_460] : memref<64x128xf32, #tpu.memory_space<vmem>>[vector<16xi32>, vector<16xi32>], vector<16xf32>,
        %gather3A_464 = tpu.vector_load_idx %arg16[%add3A_355, %add3A_463] : memref<64x128xf32, #tpu.memory_space<vmem>>[vector<16xi32>, vector<16xi32>], vector<16xf32>,
        %gather3A_465 = tpu.vector_load_idx %arg17[%add3A_355, %and3A_460] : memref<64x128xf32, #tpu.memory_space<vmem>>[vector<16xi32>, vector<16xi32>], vector<16xf32>,
        %gather3A_466 = tpu.vector_load_idx %arg17[%add3A_355, %add3A_463] : memref<64x128xf32, #tpu.memory_space<vmem>>[vector<16xi32>, vector<16xi32>], vector<16xf32>,
        %gather3A_467 = tpu.vector_load_idx %arg18[%add3A_355, %and3A_460] : memref<64x128xf32, #tpu.memory_space<vmem>>[vector<16xi32>, vector<16xi32>], vector<16xf32>,
        %gather3A_468 = tpu.vector_load_idx %arg19[%add3A_355, %and3A_460] : memref<64x128xf32, #tpu.memory_space<vmem>>[vector<16xi32>, vector<16xi32>], vector<16xf32>,
        %gather3A_469 = tpu.vector_load_idx %arg19[%add3A_355, %add3A_463] : memref<64x128xf32, #tpu.memory_space<vmem>>[vector<16xi32>, vector<16xi32>], vector<16xf32>,
        %mul3A_470 = arith.mulf %gather3A, %gather3A_467 : vector<16xf32>
        %mul3A_471 = arith.mulf %mul3A_470, %gather3A_465 : vector<16xf32>
        %add3A_472 = arith.addf %scan3A_446, %mul3A_471 : vector<16xf32>
        %mul3A_473 = arith.mulf %gather3A_464, %gather3A_468 : vector<16xf32>
        %add3A_474 = arith.addf %scan3A_447, %mul3A_473 : vector<16xf32>
        %mul3A_475 = arith.mulf %gather3A_466, %gather3A_469 : vector<16xf32>
        %add3A_476 = arith.addf %scan3A_448, %mul3A_475 : vector<16xf32>
        %mul3A_477 = arith.constant 2 : i32
        %mul3A_478 = arith.muli %mul3A_477, %scan3A_445 : i32
        %add3A_479 = vector.broadcast %mul3A_478 : i32 to vector<16xi32>
        %add3A_480 = arith.addi %iota3A, %add3A_479 : vector<16xi32>
        %add3A_481 = arith.constant 1 : i32
        %add3A_482 = vector.broadcast %add3A_481 : i32 to vector<16xi32>
        %add3A_483 = arith.addi %add3A_480, %add3A_482 : vector<16xi32>
        %and3A_484 = arith.constant 63 : i32
        %and3A_485 = vector.broadcast %and3A_484 : i32 to vector<16xi32>
        %and3A_486 = arith.andi %add3A_483, %and3A_485 : vector<16xi32>
        %add3A_487 = arith.constant 64 : i32
        %add3A_488 = vector.broadcast %add3A_487 : i32 to vector<16xi32>
        %add3A_489 = arith.addi %and3A_486, %add3A_488 : vector<16xi32>
        %gather3A_490 = tpu.vector_load_idx %arg16[%add3A_355, %and3A_486] : memref<64x128xf32, #tpu.memory_space<vmem>>[vector<16xi32>, vector<16xi32>], vector<16xf32>,
        %gather3A_491 = tpu.vector_load_idx %arg16[%add3A_355, %add3A_489] : memref<64x128xf32, #tpu.memory_space<vmem>>[vector<16xi32>, vector<16xi32>], vector<16xf32>,
        %gather3A_492 = tpu.vector_load_idx %arg17[%add3A_355, %and3A_486] : memref<64x128xf32, #tpu.memory_space<vmem>>[vector<16xi32>, vector<16xi32>], vector<16xf32>,
        %gather3A_493 = tpu.vector_load_idx %arg17[%add3A_355, %add3A_489] : memref<64x128xf32, #tpu.memory_space<vmem>>[vector<16xi32>, vector<16xi32>], vector<16xf32>,
        %gather3A_494 = tpu.vector_load_idx %arg18[%add3A_355, %and3A_486] : memref<64x128xf32, #tpu.memory_space<vmem>>[vector<16xi32>, vector<16xi32>], vector<16xf32>,
        %gather3A_495 = tpu.vector_load_idx %arg19[%add3A_355, %and3A_486] : memref<64x128xf32, #tpu.memory_space<vmem>>[vector<16xi32>, vector<16xi32>], vector<16xf32>,
        %gather3A_496 = tpu.vector_load_idx %arg19[%add3A_355, %add3A_489] : memref<64x128xf32, #tpu.memory_space<vmem>>[vector<16xi32>, vector<16xi32>], vector<16xf32>,
        %mul3A_497 = arith.mulf %gather3A_490, %gather3A_494 : vector<16xf32>
        %mul3A_498 = arith.mulf %mul3A_497, %gather3A_492 : vector<16xf32>
        %add3A_499 = arith.addf %scan3A_449, %mul3A_498 : vector<16xf32>
        %mul3A_500 = arith.mulf %gather3A_491, %gather3A_495 : vector<16xf32>
        %add3A_501 = arith.addf %scan3A_450, %mul3A_500 : vector<16xf32>
        %mul3A_502 = arith.mulf %gather3A_493, %gather3A_496 : vector<16xf32>
        %add3A_503 = arith.addf %scan3A_451, %mul3A_502 : vector<16xf32>
        scf.yield %add3A_472, %add3A_474, %add3A_476, %add3A_499, %add3A_501, %add3A_503 : vector<16xf32>, vector<16xf32>, vector<16xf32>, vector<16xf32>, vector<16xf32>, vector<16xf32>
      }
      %scan3A_363 = arith.constant 32 : i32
      %add3A_364 = arith.addf %scan3A_362#0, %scan3A_362#3 : vector<16xf32>
      %add3A_365 = arith.addf %scan3A_362#1, %scan3A_362#4 : vector<16xf32>
      %add3A_366 = arith.addf %scan3A_362#2, %scan3A_362#5 : vector<16xf32>
      %neg3A_367 = arith.constant 0.000000e+00 : f32
      %neg3A_368 = vector.broadcast %neg3A_367 : f32 to vector<16xf32>
      %neg3A_369 = arith.subf %neg3A_368, %add3A_364 : vector<16xf32>
      %exp3A_370 = math.exp %neg3A_369 : vector<16xf32>
      %add3A_371 = arith.constant 1.000000e+00 : f32
      %add3A_372 = vector.broadcast %add3A_371 : f32 to vector<16xf32>
      %add3A_373 = arith.addf %add3A_372, %exp3A_370 : vector<16xf32>
      %div3A_374 = arith.constant 2.000000e+01 : f32
      %div3A_375 = vector.broadcast %div3A_374 : f32 to vector<16xf32>
      %div3A_376 = arith.divf %div3A_375, %add3A_373 : vector<16xf32>
      %neg3A_377 = arith.constant 0.000000e+00 : f32
      %neg3A_378 = vector.broadcast %neg3A_377 : f32 to vector<16xf32>
      %neg3A_379 = arith.subf %neg3A_378, %add3A_365 : vector<16xf32>
      %exp3A_380 = math.exp %neg3A_379 : vector<16xf32>
      %add3A_381 = arith.constant 1.000000e+00 : f32
      %add3A_382 = vector.broadcast %add3A_381 : f32 to vector<16xf32>
      %add3A_383 = arith.addf %add3A_382, %exp3A_380 : vector<16xf32>
      %div3A_384 = arith.divf %div3A_376, %add3A_383 : vector<16xf32>
      %neg3A_385 = arith.constant 0.000000e+00 : f32
      %neg3A_386 = vector.broadcast %neg3A_385 : f32 to vector<16xf32>
      %neg3A_387 = arith.subf %neg3A_386, %add3A_366 : vector<16xf32>
      %exp3A_388 = math.exp %neg3A_387 : vector<16xf32>
      %add3A_389 = arith.constant 1.000000e+00 : f32
      %add3A_390 = vector.broadcast %add3A_389 : f32 to vector<16xf32>
      %add3A_391 = arith.addf %add3A_390, %exp3A_388 : vector<16xf32>
      %div3A_392 = arith.divf %div3A_384, %add3A_391 : vector<16xf32>
      %mul3A_393 = arith.constant 64 : i32
      %mul3A_394 = arith.muli %add3A_234, %mul3A_393 : i32
      %add3A_395 = arith.constant 32 : i32
      %add3A_396 = arith.addi %mul3A_394, %add3A_395 : i32
      %swap3A_397 = arith.index_cast %add3A_396 : i32 to index
      %swap3A_398 = tpu.vector_load %arg20[%swap3A_397] {strides = array<i32>} : memref<512xf32, #tpu.memory_space<vmem>>, vector<16xf32>,
      tpu.vector_store %arg20[%swap3A_397], %div3A_392 {strides = array<i32>} : memref<512xf32, #tpu.memory_space<vmem>>, vector<16xf32>,
      %add3A_399 = arith.constant 48 : i32
      %add3A_400 = vector.broadcast %add3A_399 : i32 to vector<16xi32>
      %add3A_401 = arith.addi %iota3A, %add3A_400 : vector<16xi32>
      %broadcast_in_dim3A_402 = arith.constant 0.000000e+00 : f32
      %broadcast_in_dim3A_403 = vector.broadcast %broadcast_in_dim3A_402 : f32 to vector<16xf32>
      %scan3A_404 = arith.constant 0 : i32
      %scan3A_405 = arith.constant 32 : i32
      %scan3A_406 = arith.addi %scan3A_404, %scan3A_405 : i32
      %scan3A_407 = arith.constant 1 : i32
      %scan3A_408:6 = scf.for %scan3A_445 = %scan3A_404 to %scan3A_406 step %scan3A_407 iter_args(%scan3A_446 = %broadcast_in_dim3A_403, %scan3A_447 = %broadcast_in_dim3A_403, %scan3A_448 = %broadcast_in_dim3A_403, %scan3A_449 = %broadcast_in_dim3A_403, %scan3A_450 = %broadcast_in_dim3A_403, %scan3A_451 = %broadcast_in_dim3A_403) -> (vector<16xf32>, vector<16xf32>, vector<16xf32>, vector<16xf32>, vector<16xf32>, vector<16xf32>)  : i32 {
        %mul3A_452 = arith.constant 2 : i32
        %mul3A_453 = arith.muli %mul3A_452, %scan3A_445 : i32
        %add3A_454 = vector.broadcast %mul3A_453 : i32 to vector<16xi32>
        %add3A_455 = arith.addi %iota3A, %add3A_454 : vector<16xi32>
        %add3A_456 = arith.constant 0 : i32
        %add3A_457 = vector.broadcast %add3A_456 : i32 to vector<16xi32>
        %add3A_458 = arith.addi %add3A_455, %add3A_457 : vector<16xi32>
        %and3A = arith.constant 63 : i32
        %and3A_459 = vector.broadcast %and3A : i32 to vector<16xi32>
        %and3A_460 = arith.andi %add3A_458, %and3A_459 : vector<16xi32>
        %add3A_461 = arith.constant 64 : i32
        %add3A_462 = vector.broadcast %add3A_461 : i32 to vector<16xi32>
        %add3A_463 = arith.addi %and3A_460, %add3A_462 : vector<16xi32>
        %gather3A = tpu.vector_load_idx %arg16[%add3A_401, %and3A_460] : memref<64x128xf32, #tpu.memory_space<vmem>>[vector<16xi32>, vector<16xi32>], vector<16xf32>,
        %gather3A_464 = tpu.vector_load_idx %arg16[%add3A_401, %add3A_463] : memref<64x128xf32, #tpu.memory_space<vmem>>[vector<16xi32>, vector<16xi32>], vector<16xf32>,
        %gather3A_465 = tpu.vector_load_idx %arg17[%add3A_401, %and3A_460] : memref<64x128xf32, #tpu.memory_space<vmem>>[vector<16xi32>, vector<16xi32>], vector<16xf32>,
        %gather3A_466 = tpu.vector_load_idx %arg17[%add3A_401, %add3A_463] : memref<64x128xf32, #tpu.memory_space<vmem>>[vector<16xi32>, vector<16xi32>], vector<16xf32>,
        %gather3A_467 = tpu.vector_load_idx %arg18[%add3A_401, %and3A_460] : memref<64x128xf32, #tpu.memory_space<vmem>>[vector<16xi32>, vector<16xi32>], vector<16xf32>,
        %gather3A_468 = tpu.vector_load_idx %arg19[%add3A_401, %and3A_460] : memref<64x128xf32, #tpu.memory_space<vmem>>[vector<16xi32>, vector<16xi32>], vector<16xf32>,
        %gather3A_469 = tpu.vector_load_idx %arg19[%add3A_401, %add3A_463] : memref<64x128xf32, #tpu.memory_space<vmem>>[vector<16xi32>, vector<16xi32>], vector<16xf32>,
        %mul3A_470 = arith.mulf %gather3A, %gather3A_467 : vector<16xf32>
        %mul3A_471 = arith.mulf %mul3A_470, %gather3A_465 : vector<16xf32>
        %add3A_472 = arith.addf %scan3A_446, %mul3A_471 : vector<16xf32>
        %mul3A_473 = arith.mulf %gather3A_464, %gather3A_468 : vector<16xf32>
        %add3A_474 = arith.addf %scan3A_447, %mul3A_473 : vector<16xf32>
        %mul3A_475 = arith.mulf %gather3A_466, %gather3A_469 : vector<16xf32>
        %add3A_476 = arith.addf %scan3A_448, %mul3A_475 : vector<16xf32>
        %mul3A_477 = arith.constant 2 : i32
        %mul3A_478 = arith.muli %mul3A_477, %scan3A_445 : i32
        %add3A_479 = vector.broadcast %mul3A_478 : i32 to vector<16xi32>
        %add3A_480 = arith.addi %iota3A, %add3A_479 : vector<16xi32>
        %add3A_481 = arith.constant 1 : i32
        %add3A_482 = vector.broadcast %add3A_481 : i32 to vector<16xi32>
        %add3A_483 = arith.addi %add3A_480, %add3A_482 : vector<16xi32>
        %and3A_484 = arith.constant 63 : i32
        %and3A_485 = vector.broadcast %and3A_484 : i32 to vector<16xi32>
        %and3A_486 = arith.andi %add3A_483, %and3A_485 : vector<16xi32>
        %add3A_487 = arith.constant 64 : i32
        %add3A_488 = vector.broadcast %add3A_487 : i32 to vector<16xi32>
        %add3A_489 = arith.addi %and3A_486, %add3A_488 : vector<16xi32>
        %gather3A_490 = tpu.vector_load_idx %arg16[%add3A_401, %and3A_486] : memref<64x128xf32, #tpu.memory_space<vmem>>[vector<16xi32>, vector<16xi32>], vector<16xf32>,
        %gather3A_491 = tpu.vector_load_idx %arg16[%add3A_401, %add3A_489] : memref<64x128xf32, #tpu.memory_space<vmem>>[vector<16xi32>, vector<16xi32>], vector<16xf32>,
        %gather3A_492 = tpu.vector_load_idx %arg17[%add3A_401, %and3A_486] : memref<64x128xf32, #tpu.memory_space<vmem>>[vector<16xi32>, vector<16xi32>], vector<16xf32>,
        %gather3A_493 = tpu.vector_load_idx %arg17[%add3A_401, %add3A_489] : memref<64x128xf32, #tpu.memory_space<vmem>>[vector<16xi32>, vector<16xi32>], vector<16xf32>,
        %gather3A_494 = tpu.vector_load_idx %arg18[%add3A_401, %and3A_486] : memref<64x128xf32, #tpu.memory_space<vmem>>[vector<16xi32>, vector<16xi32>], vector<16xf32>,
        %gather3A_495 = tpu.vector_load_idx %arg19[%add3A_401, %and3A_486] : memref<64x128xf32, #tpu.memory_space<vmem>>[vector<16xi32>, vector<16xi32>], vector<16xf32>,
        %gather3A_496 = tpu.vector_load_idx %arg19[%add3A_401, %add3A_489] : memref<64x128xf32, #tpu.memory_space<vmem>>[vector<16xi32>, vector<16xi32>], vector<16xf32>,
        %mul3A_497 = arith.mulf %gather3A_490, %gather3A_494 : vector<16xf32>
        %mul3A_498 = arith.mulf %mul3A_497, %gather3A_492 : vector<16xf32>
        %add3A_499 = arith.addf %scan3A_449, %mul3A_498 : vector<16xf32>
        %mul3A_500 = arith.mulf %gather3A_491, %gather3A_495 : vector<16xf32>
        %add3A_501 = arith.addf %scan3A_450, %mul3A_500 : vector<16xf32>
        %mul3A_502 = arith.mulf %gather3A_493, %gather3A_496 : vector<16xf32>
        %add3A_503 = arith.addf %scan3A_451, %mul3A_502 : vector<16xf32>
        scf.yield %add3A_472, %add3A_474, %add3A_476, %add3A_499, %add3A_501, %add3A_503 : vector<16xf32>, vector<16xf32>, vector<16xf32>, vector<16xf32>, vector<16xf32>, vector<16xf32>
      }
      %scan3A_409 = arith.constant 32 : i32
      %add3A_410 = arith.addf %scan3A_408#0, %scan3A_408#3 : vector<16xf32>
      %add3A_411 = arith.addf %scan3A_408#1, %scan3A_408#4 : vector<16xf32>
      %add3A_412 = arith.addf %scan3A_408#2, %scan3A_408#5 : vector<16xf32>
      %neg3A_413 = arith.constant 0.000000e+00 : f32
      %neg3A_414 = vector.broadcast %neg3A_413 : f32 to vector<16xf32>
      %neg3A_415 = arith.subf %neg3A_414, %add3A_410 : vector<16xf32>
      %exp3A_416 = math.exp %neg3A_415 : vector<16xf32>
      %add3A_417 = arith.constant 1.000000e+00 : f32
      %add3A_418 = vector.broadcast %add3A_417 : f32 to vector<16xf32>
      %add3A_419 = arith.addf %add3A_418, %exp3A_416 : vector<16xf32>
      %div3A_420 = arith.constant 2.000000e+01 : f32
      %div3A_421 = vector.broadcast %div3A_420 : f32 to vector<16xf32>
      %div3A_422 = arith.divf %div3A_421, %add3A_419 : vector<16xf32>
      %neg3A_423 = arith.constant 0.000000e+00 : f32
      %neg3A_424 = vector.broadcast %neg3A_423 : f32 to vector<16xf32>
      %neg3A_425 = arith.subf %neg3A_424, %add3A_411 : vector<16xf32>
      %exp3A_426 = math.exp %neg3A_425 : vector<16xf32>
      %add3A_427 = arith.constant 1.000000e+00 : f32
      %add3A_428 = vector.broadcast %add3A_427 : f32 to vector<16xf32>
      %add3A_429 = arith.addf %add3A_428, %exp3A_426 : vector<16xf32>
      %div3A_430 = arith.divf %div3A_422, %add3A_429 : vector<16xf32>
      %neg3A_431 = arith.constant 0.000000e+00 : f32
      %neg3A_432 = vector.broadcast %neg3A_431 : f32 to vector<16xf32>
      %neg3A_433 = arith.subf %neg3A_432, %add3A_412 : vector<16xf32>
      %exp3A_434 = math.exp %neg3A_433 : vector<16xf32>
      %add3A_435 = arith.constant 1.000000e+00 : f32
      %add3A_436 = vector.broadcast %add3A_435 : f32 to vector<16xf32>
      %add3A_437 = arith.addf %add3A_436, %exp3A_434 : vector<16xf32>
      %div3A_438 = arith.divf %div3A_430, %add3A_437 : vector<16xf32>
      %mul3A_439 = arith.constant 64 : i32
      %mul3A_440 = arith.muli %add3A_234, %mul3A_439 : i32
      %add3A_441 = arith.constant 48 : i32
      %add3A_442 = arith.addi %mul3A_440, %add3A_441 : i32
      %swap3A_443 = arith.index_cast %add3A_442 : i32 to index
      %swap3A_444 = tpu.vector_load %arg20[%swap3A_443] {strides = array<i32>} : memref<512xf32, #tpu.memory_space<vmem>>, vector<16xf32>,
      tpu.vector_store %arg20[%swap3A_443], %div3A_438 {strides = array<i32>} : memref<512xf32, #tpu.memory_space<vmem>>, vector<16xf32>,
    }
    %scan3A_24 = arith.constant 4 : i32
    "tpu.region"() ({
      %run_scoped3A = tpu.sem_alloc : memref<!tpu.dma_semaphore, #tpu.memory_space<semaphore_mem>>
      %dma_start3A_25 = tpu.memref_slice %arg8[%multiple_of3A] : memref<16384xf32, #tpu.memory_space<hbm>> -> memref<512xf32, #tpu.memory_space<hbm>>
      %dma_start3A_26 = tpu.memref_slice %arg8[%multiple_of3A] : memref<16384xf32, #tpu.memory_space<hbm>> -> memref<512xf32, #tpu.memory_space<hbm>>
      tpu.enqueue_dma source(%arg20 : memref<512xf32, #tpu.memory_space<vmem>>) target(%dma_start3A_26 : memref<512xf32, #tpu.memory_space<hbm>>) target_semaphore(%run_scoped3A : memref<!tpu.dma_semaphore, #tpu.memory_space<semaphore_mem>>)
      %dma_wait3A = tpu.memref_slice %arg8[%multiple_of3A] : memref<16384xf32, #tpu.memory_space<hbm>> -> memref<512xf32, #tpu.memory_space<hbm>>
      %dma_wait3A_27 = tpu.memref_slice %arg8[%multiple_of3A] : memref<16384xf32, #tpu.memory_space<hbm>> -> memref<512xf32, #tpu.memory_space<hbm>>
      tpu.wait_dma2 semaphore(%run_scoped3A : memref<!tpu.dma_semaphore, #tpu.memory_space<semaphore_mem>>) src(%arg20 : memref<512xf32, #tpu.memory_space<vmem>>) dst(%dma_wait3A_27 : memref<512xf32, #tpu.memory_space<hbm>>)
      tpu.yield
    }) : () -> ()
    return
  }
}

module attributes {stable_mosaic.version = 14 : i64} {
  func.func @_prep_body(%arg0: i32, %arg1: memref<64x12544xf32, #tpu.memory_space<vmem>>, %arg2: memref<64x12544xf32, #tpu.memory_space<vmem>>, %arg3: memref<64x1000xf32, #tpu.memory_space<vmem>>, %arg4: memref<64x1000xf32, #tpu.memory_space<vmem>>, %arg5: memref<64x1000xf32, #tpu.memory_space<vmem>>, %arg6: memref<12544x128xf32, #tpu.memory_space<vmem>>, %arg7: memref<1000x128xf32, #tpu.memory_space<vmem>>, %arg8: memref<1000x128xf32, #tpu.memory_space<vmem>>) attributes {dimension_semantics = [#tpu.dimension_semantics<arbitrary>], iteration_bounds = array<i64: 8>, scalar_prefetch = 0 : i64, scratch_operands = 0 : i64, tpu.core_type = #tpu.core_type<tc>, window_params = [{transform_indices = @transform_0, window_bounds = array<i64: 64, 12544>}, {transform_indices = @transform_1, window_bounds = array<i64: 64, 12544>}, {pipeline_mode = #tpu.pipeline_mode<synchronous>, transform_indices = @transform_2, window_bounds = array<i64: 64, 1000>}, {pipeline_mode = #tpu.pipeline_mode<synchronous>, transform_indices = @transform_3, window_bounds = array<i64: 64, 1000>}, {pipeline_mode = #tpu.pipeline_mode<synchronous>, transform_indices = @transform_4, window_bounds = array<i64: 64, 1000>}, {transform_indices = @transform_5, window_bounds = array<i64: 12544, 128>}, {pipeline_mode = #tpu.pipeline_mode<synchronous>, transform_indices = @transform_6, window_bounds = array<i64: 1000, 128>}, {pipeline_mode = #tpu.pipeline_mode<synchronous>, transform_indices = @transform_7, window_bounds = array<i64: 1000, 128>}]} {
    %iota3A = tpu.iota {dimensions = array<i32: 0>} : vector<64x64xi32>
    %iota3A_0 = tpu.iota {dimensions = array<i32: 1>} : vector<64x64xi32>
    %eq3A = arith.cmpi eq, %iota3A, %iota3A_0 : vector<64x64xi32>
    %jit3A = arith.constant 1.000000e+00 : f32
    %jit3A_1 = arith.constant 0.000000e+00 : f32
    %broadcast_in_dim3A = vector.broadcast %jit3A : f32 to vector<64x64xf32>
    %broadcast_in_dim3A_2 = vector.broadcast %jit3A_1 : f32 to vector<64x64xf32>
    %select_n3A = arith.select %eq3A, %broadcast_in_dim3A, %broadcast_in_dim3A_2 : vector<64x64xi1>, vector<64x64xf32>
    %get3A = arith.constant 0 : index
    %get3A_3 = arith.constant 0 : index
    %get3A_4 = vector.load %arg1[%get3A, %get3A_3] : memref<64x12544xf32, #tpu.memory_space<vmem>>, vector<64x12544xf32>
    %dot_general3A = arith.constant dense<0.000000e+00> : vector<12544x64xf32>
    %dot_general3A_5 = tpu.matmul %get3A_4, %select_n3A, %dot_general3A {dimension_numbers = #tpu.dot_dimension_numbers<[0], [0], [1], [1], [0, 1, 1, 1], [], []>, transpose_lhs_hint = true} : vector<64x12544xf32>, vector<64x64xf32>, vector<12544x64xf32> -> vector<12544x64xf32>
    %swap3A = arith.constant 0 : index
    %swap3A_6 = arith.constant 0 : index
    %swap3A_7 = vector.load %arg6[%swap3A, %swap3A_6] : memref<12544x128xf32, #tpu.memory_space<vmem>>, vector<12544x64xf32>
    tpu.vector_store %arg6[%swap3A, %swap3A_6], %dot_general3A_5 {strides = array<i32>} : memref<12544x128xf32, #tpu.memory_space<vmem>>, vector<12544x64xf32>,
    %get3A_8 = arith.constant 0 : index
    %get3A_9 = arith.constant 0 : index
    %get3A_10 = vector.load %arg2[%get3A_8, %get3A_9] : memref<64x12544xf32, #tpu.memory_space<vmem>>, vector<64x12544xf32>
    %dot_general3A_11 = arith.constant dense<0.000000e+00> : vector<12544x64xf32>
    %dot_general3A_12 = tpu.matmul %get3A_10, %select_n3A, %dot_general3A_11 {dimension_numbers = #tpu.dot_dimension_numbers<[0], [0], [1], [1], [0, 1, 1, 1], [], []>, transpose_lhs_hint = true} : vector<64x12544xf32>, vector<64x64xf32>, vector<12544x64xf32> -> vector<12544x64xf32>
    %swap3A_13 = arith.constant 0 : index
    %swap3A_14 = arith.constant 64 : index
    %swap3A_15 = vector.load %arg6[%swap3A_13, %swap3A_14] : memref<12544x128xf32, #tpu.memory_space<vmem>>, vector<12544x64xf32>
    tpu.vector_store %arg6[%swap3A_13, %swap3A_14], %dot_general3A_12 {strides = array<i32>} : memref<12544x128xf32, #tpu.memory_space<vmem>>, vector<12544x64xf32>,
    %eq3A_16 = arith.constant 0 : i32
    %eq3A_17 = arith.cmpi eq, %arg0, %eq3A_16 : i32
    %convert_element_type3A = arith.extui %eq3A_17 : i1 to i32
    %cond3A = arith.constant 0 : i32
    %cond3A_18 = arith.cmpi ne, %convert_element_type3A, %cond3A : i32
    scf.if %cond3A_18 {
      %get3A_19 = arith.constant 0 : index
      %get3A_20 = arith.constant 0 : index
      %get3A_21 = vector.load %arg3[%get3A_19, %get3A_20] : memref<64x1000xf32, #tpu.memory_space<vmem>>, vector<64x1000xf32>
      %dot_general3A_22 = arith.constant dense<0.000000e+00> : vector<1000x64xf32>
      %dot_general3A_23 = tpu.matmul %get3A_21, %select_n3A, %dot_general3A_22 {dimension_numbers = #tpu.dot_dimension_numbers<[0], [0], [1], [1], [0, 1, 1, 1], [], []>, transpose_lhs_hint = true} : vector<64x1000xf32>, vector<64x64xf32>, vector<1000x64xf32> -> vector<1000x64xf32>
      %swap3A_24 = arith.constant 0 : index
      %swap3A_25 = arith.constant 0 : index
      %swap3A_26 = vector.load %arg7[%swap3A_24, %swap3A_25] : memref<1000x128xf32, #tpu.memory_space<vmem>>, vector<1000x64xf32>
      tpu.vector_store %arg7[%swap3A_24, %swap3A_25], %dot_general3A_23 {strides = array<i32>} : memref<1000x128xf32, #tpu.memory_space<vmem>>, vector<1000x64xf32>,
      %broadcast_in_dim3A_27 = arith.constant 0.000000e+00 : f32
      %broadcast_in_dim3A_28 = vector.broadcast %broadcast_in_dim3A_27 : f32 to vector<1000x64xf32>
      %swap3A_29 = arith.constant 0 : index
      %swap3A_30 = arith.constant 64 : index
      %swap3A_31 = vector.load %arg7[%swap3A_29, %swap3A_30] : memref<1000x128xf32, #tpu.memory_space<vmem>>, vector<1000x64xf32>
      tpu.vector_store %arg7[%swap3A_29, %swap3A_30], %broadcast_in_dim3A_28 {strides = array<i32>} : memref<1000x128xf32, #tpu.memory_space<vmem>>, vector<1000x64xf32>,
      %get3A_32 = arith.constant 0 : index
      %get3A_33 = arith.constant 0 : index
      %get3A_34 = vector.load %arg4[%get3A_32, %get3A_33] : memref<64x1000xf32, #tpu.memory_space<vmem>>, vector<64x1000xf32>
      %dot_general3A_35 = arith.constant dense<0.000000e+00> : vector<1000x64xf32>
      %dot_general3A_36 = tpu.matmul %get3A_34, %select_n3A, %dot_general3A_35 {dimension_numbers = #tpu.dot_dimension_numbers<[0], [0], [1], [1], [0, 1, 1, 1], [], []>, transpose_lhs_hint = true} : vector<64x1000xf32>, vector<64x64xf32>, vector<1000x64xf32> -> vector<1000x64xf32>
      %swap3A_37 = arith.constant 0 : index
      %swap3A_38 = arith.constant 0 : index
      %swap3A_39 = vector.load %arg8[%swap3A_37, %swap3A_38] : memref<1000x128xf32, #tpu.memory_space<vmem>>, vector<1000x64xf32>
      tpu.vector_store %arg8[%swap3A_37, %swap3A_38], %dot_general3A_36 {strides = array<i32>} : memref<1000x128xf32, #tpu.memory_space<vmem>>, vector<1000x64xf32>,
      %get3A_40 = arith.constant 0 : index
      %get3A_41 = arith.constant 0 : index
      %get3A_42 = vector.load %arg5[%get3A_40, %get3A_41] : memref<64x1000xf32, #tpu.memory_space<vmem>>, vector<64x1000xf32>
      %dot_general3A_43 = arith.constant dense<0.000000e+00> : vector<1000x64xf32>
      %dot_general3A_44 = tpu.matmul %get3A_42, %select_n3A, %dot_general3A_43 {dimension_numbers = #tpu.dot_dimension_numbers<[0], [0], [1], [1], [0, 1, 1, 1], [], []>, transpose_lhs_hint = true} : vector<64x1000xf32>, vector<64x64xf32>, vector<1000x64xf32> -> vector<1000x64xf32>
      %swap3A_45 = arith.constant 0 : index
      %swap3A_46 = arith.constant 64 : index
      %swap3A_47 = vector.load %arg8[%swap3A_45, %swap3A_46] : memref<1000x128xf32, #tpu.memory_space<vmem>>, vector<1000x64xf32>
      tpu.vector_store %arg8[%swap3A_45, %swap3A_46], %dot_general3A_44 {strides = array<i32>} : memref<1000x128xf32, #tpu.memory_space<vmem>>, vector<1000x64xf32>,
    } else {
    }
    return
  }
  func.func @transform_0(%arg0: i32) -> (i32, i32) {
    %c0_i32 = arith.constant 0 : i32
    %c0_i32_0 = arith.constant 0 : i32
    return %c0_i32, %arg0 : i32, i32
  }
  func.func @transform_1(%arg0: i32) -> (i32, i32) {
    %c0_i32 = arith.constant 0 : i32
    %c0_i32_0 = arith.constant 0 : i32
    return %c0_i32, %arg0 : i32, i32
  }
  func.func @transform_2(%arg0: i32) -> (i32, i32) {
    %c0_i32 = arith.constant 0 : i32
    %c0_i32_0 = arith.constant 0 : i32
    %c0_i32_1 = arith.constant 0 : i32
    return %c0_i32, %c0_i32_0 : i32, i32
  }
  func.func @transform_3(%arg0: i32) -> (i32, i32) {
    %c0_i32 = arith.constant 0 : i32
    %c0_i32_0 = arith.constant 0 : i32
    %c0_i32_1 = arith.constant 0 : i32
    return %c0_i32, %c0_i32_0 : i32, i32
  }
  func.func @transform_4(%arg0: i32) -> (i32, i32) {
    %c0_i32 = arith.constant 0 : i32
    %c0_i32_0 = arith.constant 0 : i32
    %c0_i32_1 = arith.constant 0 : i32
    return %c0_i32, %c0_i32_0 : i32, i32
  }
  func.func @transform_5(%arg0: i32) -> (i32, i32) {
    %c0_i32 = arith.constant 0 : i32
    %c0_i32_0 = arith.constant 0 : i32
    return %arg0, %c0_i32 : i32, i32
  }
  func.func @transform_6(%arg0: i32) -> (i32, i32) {
    %c0_i32 = arith.constant 0 : i32
    %c0_i32_0 = arith.constant 0 : i32
    %c0_i32_1 = arith.constant 0 : i32
    return %c0_i32, %c0_i32_0 : i32, i32
  }
  func.func @transform_7(%arg0: i32) -> (i32, i32) {
    %c0_i32 = arith.constant 0 : i32
    %c0_i32_0 = arith.constant 0 : i32
    %c0_i32_1 = arith.constant 0 : i32
    return %c0_i32, %c0_i32_0 : i32, i32
  }
}

</mosaic_0001>

<sc_bundles>
// kernel: kernel.4.cloned.1.call-start
scs
__scs_entry_jumppad:
0x0: {  	(pc) =	sbr.rel $0x88, $3  }
0x1: {  	(tag) =	ssettag $0x0;
	lr =	simm.s32 $0x1  }
0x2: {  	[smem:$0x3F99] =	sst lr;
	_ =	strace $0xD0000000  }
0x3: {  	_ = 	snop  }
0x4: {  	_ = 	snop  }
0x5: {  	_ = 	snop  }
0x6: {  	_ = 	snop  }
0x7: {  	_ = 	snop  }
__scs_overlays_trampoline_lowered:
0x8: {  	[smem:$0x3FA8] =	sst s0  }
0x9: {  	[smem:$0x3FA9] =	sst s1  }
0xa: {  	[smem:$0x3FAA] =	sst s2  }
0xb: {  	[smem:$0x3FAB] =	sst s3  }
0xc: {  	[smem:$0x3FAC] =	sst s4  }
0xd: {  	[smem:$0x3FAD] =	sst s5  }
0xe: {  	[smem:$0x3FAE] =	sst s6  }
0xf: {  	[smem:$0x3FAF] =	sst s7  }
0x10: {  	[smem:$0x3FB0] =	sst s8  }
0x11: {  	[smem:$0x3FB1] =	sst s9;
	s0 =	simm.s32 @!p0 $0x0  }
0x12: {  	s1 =	sld [smem:$0x3F97];
	s0 =	simm.s32 @p0 $0x1  }
0x13: {  	[smem:$0x3FB2] =	sst s0;
	s0 =	simm.s32 @!p1 $0x0  }
0x14: {  	s2 =	sld [smem:$0x3F96];
	s0 =	simm.s32 @p1 $0x1  }
0x15: {  	[smem:$0x3FB3] =	sst s0;
	s0 =	simm.s32 @!p2 $0x0  }
0x16: {  	s3 =	sld [smem:$0x3FDB];
	s0 =	simm.s32 @p2 $0x1  }
0x17: {  	s4 =	simm.s32 $0x1BF5;
	[smem:$0x3FB5] =	sst s0  }
0x18: {  	s0 =	sld [smem:$0x3F98];
	_ =	swait.ge [sflag:s4], $0x0  }
0x19: {  	s7 =	sld [smem:$0x3F99]  }
0x1a: {  	s8 =	sadd.s32 $0xFFFFE003, lr  }
0x1b: {  	s9 =	sadd.s32 $0xFFFFFEF7, lr;
	s5 =	simm.s32 $0xFFFFFFFF;
	p2 =	slt.u32 s8, $0xFFFFF086  }
0x1c: {  	p1 =	slt.u32 s9, $0xF7A;
	s5 =	simm.s32 @!p2 $0x0  }
0x1d: {  	s5 =	simm.s32 @p1 $0x1;
	p0 =	seq.s32 s7, s2  }
0x1e: {  	s7 =	smul.u32 @!p0 $0xF7A, s2;
	p2 =	seq.s32 @!p0 s5, $0x0  }
0x1f: {  	s9 =	smul.u32 $0xF7A, s1;
	s8 =	simm.s32 @!p0 $0x1BF5;
	p2 =	por !p2, p0  }
0x20: {  	[sflag:s8] =	ssyncset.s32 @!p0 $0xFFFFF086;
	s6 =	sadd.s32 @!p0 s3, s7;
	s7 =	simm.s32 @!p0 $0x108  }
0x21: {  	s3 =	sadd.s32 s3, s9;
	s6 =	sadd.s32 @!p0 $0x88, s6;
	s7 =	simm.s32 @p2 $0x1082  }
0x22: {  	[simem:s7], [sflag:s8] =	dma.local @!p0 [hbm:s6], $0xF7A  }
0x23: {  	s9 =	sor.u32 $0xD0000000, s2;
	s6 =	simm.s32 $0x108;
	_ =	swait.ge @!p0 [sflag:s8], $0x0  }
0x24: {  	s3 =	sadd.s32 $0x88, s3;
	s6 =	simm.s32 @!p1 $0x1082;
	[sflag:s4] =	ssyncset.s32 $0xFFFFF086  }
0x25: {  	[simem:s6], [sflag:s4] =	dma.local [hbm:s3], $0xF7A  }
0x26: {  	[smem:$0x3F99] =	sst s1;
	(tag) =	ssettag s2;
	_ =	strace s9  }
0x27: {  	s1 =	sld [smem:$0x3FA9]  }
0x28: {  	s2 =	sld [smem:$0x3FAA]  }
0x29: {  	s4 =	sld [smem:$0x3FAC]  }
0x2a: {  	p0 =	seq.s32 s5, $0x0;
	s5 =	sld [smem:$0x3FAD]  }
0x2b: {  	s6 =	sld [smem:$0x3FAE]  }
0x2c: {  	s7 =	sld [smem:$0x3FAF]  }
0x2d: {  	s3 =	simm.s32 $0x108;
	s8 =	sld [smem:$0x3FB0]  }
0x2e: {  	s3 =	simm.s32 @!p0 $0x1082;
	s9 =	sld [smem:$0x3FB1]  }
0x2f: {  	lr =	sadd.s32 s0, s3;
	s0 =	sld [smem:$0x3FA8]  }
0x30: {  	s3 =	sld [smem:$0x3FAB]  }
0x31: {  	[smem:$0x3FB4] =	sst s10  }
0x32: {  	s10 =	sld [smem:$0x3FB2];
	_ =	sdelay $0x3  }
0x33: {  	p0 =	seq.s32 s10, $0x1;
	s10 =	sld [smem:$0x3FB4];
	_ =	sdelay $0x3  }
0x34: {  	[smem:$0x3FB4] =	sst s10  }
0x35: {  	s10 =	sld [smem:$0x3FB3];
	_ =	sdelay $0x3  }
0x36: {  	p1 =	seq.s32 s10, $0x1;
	s10 =	sld [smem:$0x3FB4];
	_ =	sdelay $0x3  }
0x37: {  	[smem:$0x3FB4] =	sst s10  }
0x38: {  	s10 =	sld [smem:$0x3FB5]  }
0x39: {  	_ = 	snop;
	(pc) =	sbr.ind lr, $3  }
0x3a: {  	_ = 	snop  }
0x3b: {  	_ = 	snop  }
0x3c: {  	p2 =	seq.s32 s10, $0x1;
	s10 =	sld [smem:$0x3FB4]  }
0x3d: {  	_ =	shalt  }
0x3e: {  	_ =	shalt  }
0x3f: {  	_ =	shalt  }
0x40: {  	_ =	shalt  }
0x41: {  	_ =	shalt  }
0x42: {  	_ =	shalt  }
0x43: {  	_ =	shalt  }
0x44: {  	_ =	shalt  }
0x45: {  	_ =	shalt  }
0x46: {  	_ =	shalt  }
0x47: {  	_ =	shalt  }
0x48: {  	_ =	shalt  }
0x49: {  	_ =	shalt  }
0x4a: {  	_ =	shalt  }
0x4b: {  	_ =	shalt  }
0x4c: {  	_ =	shalt  }
0x4d: {  	_ =	shalt  }
0x4e: {  	_ =	shalt  }
0x4f: {  	_ =	shalt  }
0x50: {  	_ =	shalt  }
0x51: {  	_ =	shalt  }
0x52: {  	_ =	shalt  }
0x53: {  	_ =	shalt  }
0x54: {  	_ =	shalt  }
0x55: {  	_ =	shalt  }
0x56: {  	_ =	shalt  }
0x57: {  	_ =	shalt  }
0x58: {  	_ =	shalt  }
0x59: {  	_ =	shalt  }
0x5a: {  	_ =	shalt  }
0x5b: {  	_ =	shalt  }
0x5c: {  	_ =	shalt  }
0x5d: {  	_ =	shalt  }
0x5e: {  	_ =	shalt  }
0x5f: {  	_ =	shalt  }
0x60: {  	_ =	shalt  }
0x61: {  	_ =	shalt  }
0x62: {  	_ =	shalt  }
0x63: {  	_ =	shalt  }
0x64: {  	_ =	shalt  }
0x65: {  	_ =	shalt  }
0x66: {  	_ =	shalt  }
0x67: {  	_ =	shalt  }
0x68: {  	_ =	shalt  }
0x69: {  	_ =	shalt  }
0x6a: {  	_ =	shalt  }
0x6b: {  	_ =	shalt  }
0x6c: {  	_ =	shalt  }
0x6d: {  	_ =	shalt  }
0x6e: {  	_ =	shalt  }
0x6f: {  	_ =	shalt  }
0x70: {  	_ =	shalt  }
0x71: {  	_ =	shalt  }
0x72: {  	_ =	shalt  }
0x73: {  	_ =	shalt  }
0x74: {  	_ =	shalt  }
0x75: {  	_ =	shalt  }
0x76: {  	_ =	shalt  }
0x77: {  	_ =	shalt  }
0x78: {  	_ =	shalt  }
0x79: {  	_ =	shalt  }
0x7a: {  	_ =	shalt  }
0x7b: {  	_ =	shalt  }
0x7c: {  	_ =	shalt  }
0x7d: {  	_ =	shalt  }
0x7e: {  	_ =	shalt  }
0x7f: {  	_ =	shalt  }
0x80: {  	_ =	shalt  }
0x81: {  	_ =	shalt  }
0x82: {  	_ =	shalt  }
0x83: {  	_ =	shalt  }
0x84: {  	_ =	shalt  }
0x85: {  	_ =	shalt  }
0x86: {  	_ =	shalt  }
0x87: {  	_ =	shalt  }
.Lfunc_end0:
.L_simem_size_0:
called_computation_lowered:
.L_overlay_start_0:
0x88: {  	s2 =	sld [smem:$0x3FD9]  }
0x89: {  	s3 =	sld [smem:$0x3FFE];
	_ =	sdelay $0x1  }
0x8a: {  	s1 =	srdreg.scid  }
0x8b: {  	s0 =	sand.u32 $0x1, s1  }
0x8c: {  	s17 =	sshll.u32 s0, $0xA;
	s2 =	sadd.s32 s3, s2  }
0x8d: {  	s2 =	sadd.s32 s2, s17  }
0x8e: {  	[smem:$0x3FC0] =	sst s2  }
0x8f: {  	_ = 	snop  }
0x90: {  	s2 =	sld [smem:$0x3FC9]  }
0x91: {  	s18 =	sld [smem:$0x3FC8]  }
0x92: {  	s4 =	sld [smem:$0x3FC7]  }
0x93: {  	s5 =	sld [smem:$0x3FD0];
	(tm) =	ssettm $0x1  }
0x94: {  	s6 =	sld [smem:$0x3FFB];
	_ =	sdelay $0x3  }
0x95: {  	_ =	strace s6  }
0x96: {  	s6 =	sld [smem:$0x3FFC];
	_ =	sdelay $0x3  }
0x97: {  	_ =	strace s6  }
0x98: {  	s6 =	sld [smem:$0x3FFD];
	_ =	sdelay $0x3  }
0x99: {  	_ =	strace s6  }
0x9a: {  	_ =	strace $0x8FFFFFFF  }
0x9b: {  	s19 =	sld [smem:$0x3FDB];
	_ =	sdelay $0x1  }
0x9c: {  	s7 =	simm.s32 $_scs_section_size  }
0x9d: {  	s8 =	simm.s32 $_size__tile_overlayer_lowered;
	s9 =	simm.s32 $_tile_overlayer_lowered  }
0x9e: {  	s22 =	simm.s32 $0x1BFF;
	s21 =	sshll.u32 s9, $0x1;
	s6 =	sadd.s32 s7, s19  }
0x9f: {  	s10 =	simm.s32 $0x0;
	s20 =	sshll.u32 s8, $0x1;
	s8 =	sadd.s32 s21, s6  }
0xa0: {  	[timem:s10], [sflag:s22] =	dma.local [hbm:s8], s20  }
0xa1: {  	_ =	swait.ge [sflag:s22], s20  }
0xa2: {  	s7 =	ssub.s32 $0x0, s20;
	[sflag:s22] =	ssyncset.done $0x0  }
0xa3: {  	[sflag:s22] =	ssyncadd.s32 s7;
	_ =	sdelay $0x1  }
0xa4: {  	s23 =	simm.s32 $0x1B8B  }
0xa5: {  	_ =	swait.ge [sflag:s23], $0x1  }
0xa6: {  	[sflag:s23] =	ssyncset.done $0x0  }
0xa7: {  	s25 =	simm.s32 $0x1B8E;
	s24 =	sld [smem:$0x3FFE];
	[sflag:s23] =	ssyncadd.s32 $0xFFFFFFFF  }
0xa8: {  	s26 =	simm.s32 $execute0_lowered;
	[smem:$0x3FD2] =	sst s25  }
0xa9: {  	s8 =	sshll.u32 s26, $0x1;
	_ =	strace $0x80000046;
	[dreg:$0x1] =	wrdreg $0xFFFFFFFF  }
0xaa: {  	s28 =	simm.s32 $_size_execute0_lowered;
	s6 =	sadd.s32 s6, s8;
	[dreg:$0x0] =	wrdreg $0x0  }
0xab: {  	s8 =	sshll.u32 s28, $0x1;
	[dreg:$0x2] =	wrdreg s6  }
0xac: {  	[dreg:$0x3] =	wrdreg s8  }
0xad: {  	[dreg:$0x4] =	wrdreg $0xC0  }
0xae: {  	_ =	task [dreg:s10], $0x5FFFF  }
0xaf: {  	[dreg:$0x1] =	wrdreg $0xFFFFFFFF  }
0xb0: {  	[dreg:$0x0] =	wrdreg $0x60  }
0xb1: {  	[dreg:$0x2] =	wrdreg s2  }
0xb2: {  	[dreg:$0x3] =	wrdreg s18  }
0xb3: {  	[dreg:$0x4] =	wrdreg s4  }
0xb4: {  	[dreg:$0x5] =	wrdreg s24  }
0xb5: {  	[dreg:$0x6] =	wrdreg s5  }
0xb6: {  	[dreg:$0x7] =	wrdreg $0x9  }
0xb7: {  	_ =	task.clear_ibuf [dreg:s10], $0x8FFFF;
	_ =	strace $0x90000046  }
0xb8: {  	s29 =	simm.s32 $0x9;
	_ =	strace $0x80000048  }
0xb9: {  	_ =	swait.ge [sflag:s29], $0x1  }
0xba: {  	[sflag:s29] =	ssyncadd.s32 $0xFFFFFFFF  }
0xbb: {  	_ =	strace $0x90000048  }
0xbc: {  	_ =	sfence  }
0xbd: {  	s30 =	sld [smem:$0x0];
	_ =	sdelay $0x2  }
0xbe: {  	s31 =	sshll.u32 s1, $0xD;
	s1 =	sshrl.u32 s1, $0x2  }
0xbf: {  	s3 =	sand.u32 $0x4000, s31;
	s1 =	sadd.s32 s1, s30  }
0xc0: {  	s0 =	sor.u32 s3, s0;
	s1 =	sshll.u32 s1, $0x11  }
0xc1: {  	s0 =	sor.u32 s1, s0  }
0xc2: {  	s0 =	sadd.s32 $0x8F2B, s0  }
0xc3: {  	[sflag:s0] =	ssyncadd.remote.s32 $0x1  }
0xc4: {  	_ =	sfence.sel $0xFFFF  }
0xc5: {  	[dreg:$0x0] =	wrdreg $0xFFFFFFFF;
	(pc) =	sbr.abs _section_cstart, $3  }
0xc6: {  	[dreg:$0x1] =	wrdreg $0xFFFFFFFF  }
0xc7: {  	_ =	task.clear_ibuf [dreg:s10], $0x2FFFF;
	_ =	strace $0x9FFFFFFF  }
0xc8: {  	(tm) =	ssettm $0x7FFFFFFF  }
0xc9: {  	_ =	shalt  }
tec
execute0_lowered:
.L_overlay_start_1:
0x0: {  	(tag) =	ssettag $0x1  }
0x1: {  	s0 =	rddreg [dreg:$0x0]  }
0x2: {  	s7 =	rddreg [dreg:$0x1]  }
0x3: {  	s8 =	rddreg [dreg:$0x2]  }
0x4: {  	s5 =	rddreg [dreg:$0x3]  }
0x5: {  	s9 =	rddreg [dreg:$0x4]  }
0x6: {  	s1 =	simm.s32 $0x0;
	s2 =	srdreg.scid;
	s30 =	stileid.u32  }
0x7: {  	s13 =	simm.s32 $0x400;
	s14 =	simm.s32 $0x40;
	s15 =	simm.s32 $0x600  }
0x8: {  	s16 =	simm.s32 $0x2600;
	s17 =	simm.s32 $0x4600;
	s18 =	simm.s32 $0x6600  }
0x9: {  	s19 =	simm.s32 $0x8600;
	s20 =	simm.s32 $0xA600;
	s21 =	simm.s32 $0xC600  }
0xa: {  	s22 =	simm.s32 $0xE600;
	s23 =	simm.s32 $0x1;
	s24 =	simm.s32 $0x2  }
0xb: {  	s25 =	simm.s32 $0x10600;
	s26 =	simm.s32 $0x0;
	[smem:$0x7FF] =	sst s1  }
0xc: {  	v0 =	vlaneseq.u32;
	s3 =	sadd.s32 $0x1000, s5;
	s6 =	sand.u32 $0x1, s2;
	s4 =	sadd.s32 $0x187A00, s5  }
0xd: {  	s12 =	sshll.u32 s30, $0x7;
	s5 =	sadd.s32 $0x18BA00, s5;
	v1 =	vmul.u32 $0x80, v0;
	s10 =	ssub.s32 $0x2, s6  }
0xe: {  	_ =	strace $0x80000047;
	s6 =	sshll.u32 s6, $0x6;
	s11 =	sshrl.u32 s10, $0x1  }
0xf: {  	v3 =	vadd.s32 $0x1, v0;
	s31 =	sor.u32 s6, s12;
	s12 =	simm.s32 $0x200;
	v2 =	vor.u32 $0x40, v1;
	s10 =	ssub.s32 s10, s11  }
0x10: {  	v4 =	vor.u32 $0x800, v1;
	v5 =	vor.u32 $0x840, v1;
	v6 =	vor.u32 $0x1000, v1;
	s6 =	sadd.s32 s0, s31;
	s7 =	sadd.s32 s7, s31;
	s8 =	sadd.s32 s8, s31  }
0x11: {  	v7 =	vor.u32 $0x1040, v1;
	v8 =	vor.u32 $0x1800, v1;
	v9 =	vor.u32 $0x1840, v1;
	s9 =	sadd.s32 s9, s31;
	s11 =	simm.s32 $0x3;
	s10 =	smax.u32 s10, $0x1  }
.LBB2_1:
0x12: {  	[tilespmem:s1], [sflag:$0x3] =	stream.linear.gather [hbm4b:s6+s1], $0x200, $0x38;
	[tilespmem:$0x10800] =	vst v63  }
0x13: {  	_ =	swait.ge [sflag:s11], $0x200  }
0x14: {  	[sflag:s11] =	ssyncset.done $0x0  }
0x15: {  	[sflag:s11] =	ssyncadd.s32 $0xFFFFFE00  }
0x16: {  	[tilespmem:s12], [sflag:$0x3] =	stream.linear.gather [hbm4b:s7+s1], $0x200, $0x38;
	[tilespmem:$0x10800] =	vst v63  }
0x17: {  	_ =	swait.ge [sflag:s11], $0x200  }
0x18: {  	[sflag:s11] =	ssyncset.done $0x0  }
0x19: {  	[sflag:s11] =	ssyncadd.s32 $0xFFFFFE00  }
0x1a: {  	[tilespmem:s13], [sflag:$0x3] =	stream.linear.gather [hbm4b:s8+s1], $0x200, $0x38;
	[tilespmem:$0x10800] =	vst v63  }
0x1b: {  	_ =	swait.ge [sflag:s11], $0x200  }
0x1c: {  	[sflag:s11] =	ssyncset.done $0x0  }
0x1d: {  	[sflag:s11] =	ssyncadd.s32 $0xFFFFFE00  }
0x1e: {  	[tilespmem:s15], [sflag:$0x1] =	stream.indirect.gather [hbm4b:s3+s14], $0x80, s1, s14, $0xb8;
	[tilespmem:$0x10800] =	vst v63  }
0x1f: {  	_ = 	snop  }
0x20: {  	[tilespmem:s16], [sflag:$0x1] =	stream.indirect.gather [hbm4b:s3+s14], $0x80, s13, s14, $0xb8;
	[tilespmem:$0x10800] =	vst v63  }
0x21: {  	_ = 	snop  }
0x22: {  	[tilespmem:s17], [sflag:$0x1] =	stream.indirect.gather [hbm4b:s4+s14], $0x80, s12, s14, $0xb8;
	[tilespmem:$0x10800] =	vst v63  }
0x23: {  	s28 =	simm.s32 $0x0  }
0x24: {  	[tilespmem:s18], [sflag:$0x1] =	stream.indirect.gather [hbm4b:s5+s14], $0x80, s12, s14, $0xb8;
	[tilespmem:$0x10800] =	vst v63  }
.LBB2_2:
0x25: {  	s29 =	sshll.u32 s28, $0x7  }
0x26: {  	s30 =	sor.u32 $0x40, s29  }
0x27: {  	[tilespmem:s19], [sflag:$0x2] =	stream.indirect.gather [hbm4b:s3+s14], $0x80, s30, s14, $0xb8;
	[tilespmem:$0x10800] =	vst v63  }
0x28: {  	s0 =	sadd.s32 $0x440, s29  }
0x29: {  	[tilespmem:s20], [sflag:$0x2] =	stream.indirect.gather [hbm4b:s3+s14], $0x80, s0, s14, $0xb8;
	[tilespmem:$0x10800] =	vst v63  }
0x2a: {  	s2 =	sadd.s32 $0x240, s29  }
0x2b: {  	[tilespmem:s21], [sflag:$0x2] =	stream.indirect.gather [hbm4b:s4+s14], $0x80, s2, s14, $0xb8;
	[tilespmem:$0x10800] =	vst v63  }
0x2c: {  	_ = 	snop  }
0x2d: {  	[tilespmem:s22], [sflag:$0x2] =	stream.indirect.gather [hbm4b:s5+s14], $0x80, s2, s14, $0xb8;
	[tilespmem:$0x10800] =	vst v63  }
0x2e: {  	_ =	swait.ge [sflag:s23], $0x2000  }
0x2f: {  	[sflag:s23] =	ssyncset.done $0x0  }
0x30: {  	[sflag:s23] =	ssyncadd.s32 $0xFFFFE000  }
0x31: {  	_ =	swait.ge [sflag:s23], $0x2000  }
0x32: {  	[sflag:s23] =	ssyncset.done $0x0  }
0x33: {  	s2 =	simm.s32 $0x0;
	[sflag:s23] =	ssyncadd.s32 $0xFFFFE000  }
0x34: {  	v10 =	vadd.s32 s2, v3;
	_ =	swait.ge [sflag:s23], $0x2000  }
0x35: {  	v11 =	vand.u32 $0x3F, v10;
	v12 =	vor.u32 v2, v10;
	[sflag:s23] =	ssyncset.done $0x0  }
0x36: {  	v13 =	vor.u32 v1, v11;
	[sflag:s23] =	ssyncadd.s32 $0xFFFFE000  }
0x37: {  	v11 =	vadd.s32 s2, v0;
	_ =	swait.ge [sflag:s23], $0x2000  }
0x38: {  	v10 =	vand.u32 $0x3F, v11;
	[sflag:s23] =	ssyncset.done $0x0  }
0x39: {  	v14 =	vor.u32 v1, v10;
	[sflag:s23] =	ssyncadd.s32 $0xFFFFE000  }
0x3a: {  	v10 =	vld.idx.msk [tilespmem:v12+s15+$0x0], $0xffff  }
0x3b: {  	v17 =	vor.u32 v2, v11;
	v15 =	vld.idx.msk [tilespmem:v13+s16+$0x0], $0xffff  }
0x3c: {  	v19 =	vld.idx.msk [tilespmem:v13+s15+$0x0], $0xffff  }
0x3d: {  	v20 =	vld.idx.msk [tilespmem:v13+s17+$0x0], $0xffff  }
0x3e: {  	v21 =	vld.idx.msk [tilespmem:v14+s15+$0x0], $0xffff  }
0x3f: {  	v22 =	vld.idx.msk [tilespmem:v14+s17+$0x0], $0xffff  }
0x40: {  	v23 =	vld.idx.msk [tilespmem:v17+s15+$0x0], $0xffff  }
0x41: {  	s2 =	simm.s32 $0x2;
	v24 =	vld.idx.msk [tilespmem:v14+s18+$0x0], $0xffff  }
0x42: {  	v16 =	vadd.s32 s2, v3;
	v27 =	vld.idx.msk [tilespmem:v14+s16+$0x0], $0xffff  }
0x43: {  	v11 =	vimm.f32 $0.0e+00;
	v26 =	vor.u32 v2, v16;
	v14 =	vand.u32 $0x3F, v16;
	v16 =	vld.idx.msk [tilespmem:v17+s16+$0x0], $0xffff  }
0x44: {  	v25 =	vld.idx.msk [tilespmem:v13+s18+$0x0], $0xffff;
	v13 =	vimm.f32 $0.0e+00;
	v28 =	vor.u32 v1, v14;
	v14 =	vadd.s32 s2, v0  }
0x45: {  	v18 =	vld.idx.msk [tilespmem:v17+s18+$0x0], $0xffff;
	v32 =	vand.u32 $0x3F, v14;
	v17 =	vor.u32 v2, v14;
	v30 =	vmul.f32 v22, v21;
	v21 =	vmovc v28  }
0x46: {  	v31 =	vmul.f32 v20, v19;
	v19 =	vld.idx.msk [tilespmem:v12+s16+$0x0], $0xffff;
	v29 =	vmul.f32 v24, v23;
	v22 =	vimm.f32 $0.0e+00  }
0x47: {  	s31 =	simm.s32 $0x4;
	v14 =	vmovc v26;
	v23 =	vimm.f32 $0.0e+00;
	v24 =	vld.idx.msk [tilespmem:v12+s18+$0x0], $0xffff;
	v12 =	vimm.f32 $0.0e+00;
	v20 =	vimm.f32 $0.0e+00  }
.LBB2_3:
0x48: {  	p0 =	sne.s32 s31, $0x3E;
	v32 =	vor.u32 v1, v32;
	v26 =	vld.idx.msk [tilespmem:v26+s15+$0x0], $0xffff;
	v27 =	vmul.f32 v30, v27;
	v30 =	vmul.f32 v31, v15  }
0x49: {  	v15 =	vld.idx.msk [tilespmem:v28+s16+$0x0], $0xffff;
	v11 =	vadd.f32 v29, v11  }
0x4a: {  	v16 =	vmul.f32 v18, v16;
	v29 =	vld.idx.msk [tilespmem:v21+s15+$0x0], $0xffff;
	v22 =	vadd.f32 v27, v22;
	v23 =	vadd.f32 v30, v23  }
0x4b: {  	v18 =	vmul.f32 v25, v10;
	v31 =	vld.idx.msk [tilespmem:v21+s17+$0x0], $0xffff  }
0x4c: {  	v12 =	vadd.f32 v16, v12;
	v33 =	vld.idx.msk [tilespmem:v17+s15+$0x0], $0xffff  }
0x4d: {  	v20 =	vadd.f32 v18, v20;
	v16 =	vmul.f32 v24, v19;
	v30 =	vld.idx.msk [tilespmem:v32+s15+$0x0], $0xffff  }
0x4e: {  	v10 =	vmov v26;
	v19 =	vld.idx.msk [tilespmem:v32+s17+$0x0], $0xffff  }
0x4f: {  	v13 =	vadd.f32 v16, v13;
	v24 =	vld.idx.msk [tilespmem:v32+s18+$0x0], $0xffff  }
0x50: {  	v16 =	vadd.s32 s31, v3;
	v27 =	vld.idx.msk [tilespmem:v32+s16+$0x0], $0xffff  }
.Ltmp0:
0x51: {  	v18 =	vand.u32 $0x3F, v16;
	v26 =	vor.u32 v2, v16;
	v16 =	vld.idx.msk [tilespmem:v17+s16+$0x0], $0xffff;
	(pc) =	sbr.rel @p0 .LBB2_3-.Ltmp0, $4  }
0x52: {  	v28 =	vor.u32 v1, v18;
	v18 =	vld.idx.msk [tilespmem:v17+s18+$0x0], $0xffff  }
0x53: {  	v25 =	vld.idx.msk [tilespmem:v21+s18+$0x0], $0xffff;
	v21 =	vmov v28  }
0x54: {  	v31 =	vmul.f32 v31, v29;
	v17 =	vadd.s32 s31, v0;
	v30 =	vmul.f32 v19, v30;
	v19 =	vld.idx.msk [tilespmem:v14+s16+$0x0], $0xffff  }
0x55: {  	s31 =	sadd.s32 $0x2, s31;
	v32 =	vand.u32 $0x3F, v17;
	v17 =	vor.u32 v2, v17;
	v29 =	vmul.f32 v24, v33;
	v24 =	vld.idx.msk [tilespmem:v14+s18+$0x0], $0xffff;
	v14 =	vmovc v26  }
0x56: {  	_ = 	snop  }
0x57: {  	v32 =	vor.u32 v1, v32;
	_ =	sdelay $0x2  }
0x58: {  	v33 =	vld.idx.msk [tilespmem:v21+s15+$0x0], $0xffff  }
0x59: {  	v34 =	vld.idx.msk [tilespmem:v21+s17+$0x0], $0xffff  }
0x5a: {  	v35 =	vld.idx.msk [tilespmem:v32+s15+$0x0], $0xffff  }
0x5b: {  	v36 =	vld.idx.msk [tilespmem:v32+s17+$0x0], $0xffff  }
0x5c: {  	v28 =	vld.idx.msk [tilespmem:v28+s16+$0x0], $0xffff  }
0x5d: {  	v37 =	vld.idx.msk [tilespmem:v32+s16+$0x0], $0xffff;
	_ =	sdelay $0x1  }
0x5e: {  	v27 =	vmul.f32 v30, v27;
	v15 =	vmul.f32 v31, v15  }
0x5f: {  	v31 =	vmul.f32 v34, v33;
	v30 =	vmul.f32 v36, v35  }
0x60: {  	v22 =	vadd.f32 v27, v22  }
0x61: {  	v15 =	vadd.f32 v15, v23;
	v27 =	vmul.f32 v31, v28;
	v23 =	vmul.f32 v30, v37;
	_ =	sdelay $0x1  }
0x62: {  	v15 =	vadd.f32 v27, v15;
	v22 =	vadd.f32 v23, v22;
	_ =	sdelay $0x1  }
0x63: {  	v15 =	vadd.f32 v15, v22  }
0x64: {  	v21 =	vld.idx.msk [tilespmem:v21+s18+$0x0], $0xffff  }
0x65: {  	v23 =	vld.idx.msk [tilespmem:v17+s15+$0x0], $0xffff;
	v15 =	vsub.f32 $0.0e+00, v15  }
0x66: {  	v22 =	vld.idx.msk [tilespmem:v26+s15+$0x0], $0xffff  }
0x67: {  	v26 =	vld.idx.msk [tilespmem:v32+s18+$0x0], $0xffff;
	v15 =	vmul.f32 $1.442695020e+00, v15;
	_ =	sdelay $0x1  }
0x68: {  	(erf) = vpow2.f32 v15  }
0x69: {  	v10 =	vmul.f32 v25, v10  }
0x6a: {  	v11 =	vadd.f32 v29, v11  }
0x6b: {  	v10 =	vadd.f32 v10, v20;
	v20 =	vmul.f32 v21, v22;
	v15 =	vmul.f32 v26, v23;
	_ =	sdelay $0x1  }
0x6c: {  	v10 =	vadd.f32 v20, v10;
	v11 =	vadd.f32 v15, v11;
	_ =	sdelay $0x1  }
0x6d: {  	v10 =	vadd.f32 v10, v11  }
0x6e: {  	v15 =	vld.idx.msk [tilespmem:v17+s18+$0x0], $0xffff  }
0x6f: {  	v11 =	vld.idx.msk [tilespmem:v17+s16+$0x0], $0xffff;
	v10 =	vsub.f32 $0.0e+00, v10;
	v17 =	vpop (erf)  }
0x70: {  	v20 =	vld.idx.msk [tilespmem:v14+s16+$0x0], $0xffff;
	v17 =	vadd.f32 $1.000000000e+00, v17  }
0x71: {  	v14 =	vld.idx.msk [tilespmem:v14+s18+$0x0], $0xffff;
	v10 =	vmul.f32 $1.442695020e+00, v10  }
0x72: {  	(erf) = vrcp.f32 v17  }
0x73: {  	v16 =	vmul.f32 v18, v16;
	(erf) = vpow2.f32 v10  }
0x74: {  	v10 =	vmul.f32 v24, v19  }
0x75: {  	v12 =	vadd.f32 v16, v12;
	v11 =	vmul.f32 v15, v11  }
0x76: {  	v10 =	vadd.f32 v10, v13;
	v13 =	vmul.f32 v14, v20  }
0x77: {  	v11 =	vadd.f32 v11, v12  }
0x78: {  	v10 =	vadd.f32 v13, v10;
	_ =	sdelay $0x1  }
0x79: {  	v10 =	vadd.f32 v10, v11  }
0x7a: {  	v11 =	vpop (erf)  }
0x7b: {  	v10 =	vsub.f32 $0.0e+00, v10;
	v12 =	vpop (erf)  }
0x7c: {  	v12 =	vadd.f32 $1.000000000e+00, v12  }
0x7d: {  	v10 =	vmul.f32 $1.442695020e+00, v10  }
0x7e: {  	(erf) = vrcp.f32 v12  }
0x7f: {  	(erf) = vpow2.f32 v10;
	_ =	sdelay $0x7  }
0x80: {  	v10 =	vpop (erf)  }
0x81: {  	v12 =	vpop (erf)  }
0x82: {  	v12 =	vadd.f32 $1.000000000e+00, v12;
	_ =	sdelay $0x1  }
0x83: {  	(erf) = vrcp.f32 v12;
	_ =	sdelay $0x5  }
0x84: {  	s0 =	simm.s32 $0x0;
	v11 =	vmul.f32 $2.000000000e+01, v11  }
0x85: {  	v12 =	vadd.s32 s0, v3  }
0x86: {  	v10 =	vmul.f32 v10, v11;
	v11 =	vand.u32 $0x3F, v12;
	v12 =	vor.u32 v5, v12  }
0x87: {  	v14 =	vor.u32 v4, v11;
	v13 =	vpop (erf)  }
0x88: {  	v10 =	vmul.f32 v13, v10  }
0x89: {  	s31 =	sand.u32 $0x3FFFFF80, s29;
	v11 =	vadd.s32 s0, v0  }
0x8a: {  	v17 =	vor.u32 v5, v11;
	v13 =	vand.u32 $0x3F, v11;
	[tilespmem:s31+$0x10600] =	vst v10  }
0x8b: {  	v13 =	vor.u32 v4, v13;
	v10 =	vld.idx.msk [tilespmem:v12+s15+$0x0], $0xffff  }
0x8c: {  	v15 =	vld.idx.msk [tilespmem:v14+s16+$0x0], $0xffff  }
0x8d: {  	v19 =	vld.idx.msk [tilespmem:v14+s15+$0x0], $0xffff  }
0x8e: {  	v20 =	vld.idx.msk [tilespmem:v14+s17+$0x0], $0xffff  }
0x8f: {  	v23 =	vld.idx.msk [tilespmem:v17+s15+$0x0], $0xffff  }
0x90: {  	v21 =	vld.idx.msk [tilespmem:v13+s15+$0x0], $0xffff  }
0x91: {  	v22 =	vld.idx.msk [tilespmem:v13+s17+$0x0], $0xffff  }
0x92: {  	s2 =	simm.s32 $0x2;
	v24 =	vld.idx.msk [tilespmem:v13+s18+$0x0], $0xffff  }
0x93: {  	v16 =	vadd.s32 s2, v3;
	v18 =	vld.idx.msk [tilespmem:v17+s18+$0x0], $0xffff  }
0x94: {  	v26 =	vor.u32 v5, v16;
	v11 =	vimm.f32 $0.0e+00;
	v27 =	vld.idx.msk [tilespmem:v13+s16+$0x0], $0xffff;
	v13 =	vand.u32 $0x3F, v16  }
0x95: {  	v25 =	vld.idx.msk [tilespmem:v14+s18+$0x0], $0xffff;
	v28 =	vor.u32 v4, v13;
	v13 =	vadd.s32 s2, v0;
	v31 =	vmul.f32 v20, v19  }
0x96: {  	v16 =	vld.idx.msk [tilespmem:v17+s16+$0x0], $0xffff;
	v32 =	vand.u32 $0x3F, v13;
	v17 =	vor.u32 v5, v13;
	v30 =	vmul.f32 v22, v21;
	v21 =	vmovc v28  }
0x97: {  	v19 =	vld.idx.msk [tilespmem:v12+s16+$0x0], $0xffff;
	v20 =	vimm.f32 $0.0e+00;
	v13 =	vimm.f32 $0.0e+00;
	v29 =	vmul.f32 v24, v23  }
0x98: {  	s0 =	simm.s32 $0x4;
	v14 =	vmovc v26;
	v22 =	vimm.f32 $0.0e+00;
	v23 =	vimm.f32 $0.0e+00;
	v24 =	vld.idx.msk [tilespmem:v12+s18+$0x0], $0xffff;
	v12 =	vimm.f32 $0.0e+00  }
.LBB2_5:
0x99: {  	p0 =	sne.s32 s0, $0x3E;
	v32 =	vor.u32 v4, v32;
	v26 =	vld.idx.msk [tilespmem:v26+s15+$0x0], $0xffff;
	v27 =	vmul.f32 v30, v27;
	v30 =	vmul.f32 v31, v15  }
0x9a: {  	v15 =	vld.idx.msk [tilespmem:v28+s16+$0x0], $0xffff;
	v11 =	vadd.f32 v29, v11  }
0x9b: {  	v16 =	vmul.f32 v18, v16;
	v29 =	vld.idx.msk [tilespmem:v21+s15+$0x0], $0xffff;
	v22 =	vadd.f32 v27, v22;
	v23 =	vadd.f32 v30, v23  }
0x9c: {  	v18 =	vmul.f32 v25, v10;
	v31 =	vld.idx.msk [tilespmem:v21+s17+$0x0], $0xffff  }
0x9d: {  	v12 =	vadd.f32 v16, v12;
	v33 =	vld.idx.msk [tilespmem:v17+s15+$0x0], $0xffff  }
0x9e: {  	v20 =	vadd.f32 v18, v20;
	v16 =	vmul.f32 v24, v19;
	v30 =	vld.idx.msk [tilespmem:v32+s15+$0x0], $0xffff  }
0x9f: {  	v10 =	vmov v26;
	v19 =	vld.idx.msk [tilespmem:v32+s17+$0x0], $0xffff  }
0xa0: {  	v13 =	vadd.f32 v16, v13;
	v24 =	vld.idx.msk [tilespmem:v32+s18+$0x0], $0xffff  }
0xa1: {  	v16 =	vadd.s32 s0, v3;
	v27 =	vld.idx.msk [tilespmem:v32+s16+$0x0], $0xffff  }
.Ltmp1:
0xa2: {  	v18 =	vand.u32 $0x3F, v16;
	v26 =	vor.u32 v5, v16;
	v16 =	vld.idx.msk [tilespmem:v17+s16+$0x0], $0xffff;
	(pc) =	sbr.rel @p0 .LBB2_5-.Ltmp1, $4  }
0xa3: {  	v28 =	vor.u32 v4, v18;
	v18 =	vld.idx.msk [tilespmem:v17+s18+$0x0], $0xffff  }
0xa4: {  	v25 =	vld.idx.msk [tilespmem:v21+s18+$0x0], $0xffff;
	v21 =	vmov v28  }
0xa5: {  	v31 =	vmul.f32 v31, v29;
	v17 =	vadd.s32 s0, v0;
	v30 =	vmul.f32 v19, v30;
	v19 =	vld.idx.msk [tilespmem:v14+s16+$0x0], $0xffff  }
0xa6: {  	s0 =	sadd.s32 $0x2, s0;
	v32 =	vand.u32 $0x3F, v17;
	v17 =	vor.u32 v5, v17;
	v29 =	vmul.f32 v24, v33;
	v24 =	vld.idx.msk [tilespmem:v14+s18+$0x0], $0xffff;
	v14 =	vmovc v26  }
0xa7: {  	_ = 	snop  }
0xa8: {  	v32 =	vor.u32 v4, v32;
	_ =	sdelay $0x2  }
0xa9: {  	v33 =	vld.idx.msk [tilespmem:v21+s15+$0x0], $0xffff  }
0xaa: {  	v34 =	vld.idx.msk [tilespmem:v21+s17+$0x0], $0xffff  }
0xab: {  	v35 =	vld.idx.msk [tilespmem:v32+s15+$0x0], $0xffff  }
0xac: {  	v36 =	vld.idx.msk [tilespmem:v32+s17+$0x0], $0xffff  }
0xad: {  	v28 =	vld.idx.msk [tilespmem:v28+s16+$0x0], $0xffff  }
0xae: {  	v37 =	vld.idx.msk [tilespmem:v32+s16+$0x0], $0xffff;
	_ =	sdelay $0x1  }
0xaf: {  	v27 =	vmul.f32 v30, v27;
	v15 =	vmul.f32 v31, v15  }
0xb0: {  	v31 =	vmul.f32 v34, v33;
	v30 =	vmul.f32 v36, v35  }
0xb1: {  	v22 =	vadd.f32 v27, v22  }
0xb2: {  	v15 =	vadd.f32 v15, v23;
	v27 =	vmul.f32 v31, v28;
	v23 =	vmul.f32 v30, v37;
	_ =	sdelay $0x1  }
0xb3: {  	v15 =	vadd.f32 v27, v15;
	v22 =	vadd.f32 v23, v22;
	_ =	sdelay $0x1  }
0xb4: {  	v15 =	vadd.f32 v15, v22  }
0xb5: {  	v21 =	vld.idx.msk [tilespmem:v21+s18+$0x0], $0xffff  }
0xb6: {  	v23 =	vld.idx.msk [tilespmem:v17+s15+$0x0], $0xffff;
	v15 =	vsub.f32 $0.0e+00, v15  }
0xb7: {  	v22 =	vld.idx.msk [tilespmem:v26+s15+$0x0], $0xffff  }
0xb8: {  	v26 =	vld.idx.msk [tilespmem:v32+s18+$0x0], $0xffff;
	v15 =	vmul.f32 $1.442695020e+00, v15;
	_ =	sdelay $0x1  }
0xb9: {  	(erf) = vpow2.f32 v15  }
0xba: {  	v10 =	vmul.f32 v25, v10  }
0xbb: {  	v11 =	vadd.f32 v29, v11  }
0xbc: {  	v10 =	vadd.f32 v10, v20;
	v20 =	vmul.f32 v21, v22;
	v15 =	vmul.f32 v26, v23;
	_ =	sdelay $0x1  }
0xbd: {  	v10 =	vadd.f32 v20, v10;
	v11 =	vadd.f32 v15, v11;
	_ =	sdelay $0x1  }
0xbe: {  	v10 =	vadd.f32 v10, v11  }
0xbf: {  	v15 =	vld.idx.msk [tilespmem:v17+s18+$0x0], $0xffff  }
0xc0: {  	v11 =	vld.idx.msk [tilespmem:v17+s16+$0x0], $0xffff;
	v10 =	vsub.f32 $0.0e+00, v10;
	v17 =	vpop (erf)  }
0xc1: {  	v20 =	vld.idx.msk [tilespmem:v14+s16+$0x0], $0xffff;
	v17 =	vadd.f32 $1.000000000e+00, v17  }
0xc2: {  	v14 =	vld.idx.msk [tilespmem:v14+s18+$0x0], $0xffff;
	v10 =	vmul.f32 $1.442695020e+00, v10  }
0xc3: {  	(erf) = vrcp.f32 v17  }
0xc4: {  	v16 =	vmul.f32 v18, v16;
	(erf) = vpow2.f32 v10  }
0xc5: {  	v10 =	vmul.f32 v24, v19  }
0xc6: {  	v12 =	vadd.f32 v16, v12;
	v11 =	vmul.f32 v15, v11  }
0xc7: {  	v10 =	vadd.f32 v10, v13;
	v13 =	vmul.f32 v14, v20  }
0xc8: {  	v11 =	vadd.f32 v11, v12  }
0xc9: {  	v10 =	vadd.f32 v13, v10;
	_ =	sdelay $0x1  }
0xca: {  	v10 =	vadd.f32 v10, v11  }
0xcb: {  	v11 =	vpop (erf)  }
0xcc: {  	v10 =	vsub.f32 $0.0e+00, v10;
	v12 =	vpop (erf)  }
0xcd: {  	v12 =	vadd.f32 $1.000000000e+00, v12  }
0xce: {  	v10 =	vmul.f32 $1.442695020e+00, v10  }
0xcf: {  	(erf) = vrcp.f32 v12  }
0xd0: {  	(erf) = vpow2.f32 v10;
	_ =	sdelay $0x7  }
0xd1: {  	v10 =	vpop (erf)  }
0xd2: {  	v12 =	vpop (erf)  }
0xd3: {  	v12 =	vadd.f32 $1.000000000e+00, v12;
	_ =	sdelay $0x1  }
0xd4: {  	(erf) = vrcp.f32 v12;
	_ =	sdelay $0x5  }
0xd5: {  	s0 =	simm.s32 $0x0;
	v11 =	vmul.f32 $2.000000000e+01, v11  }
0xd6: {  	v12 =	vadd.s32 s0, v3  }
0xd7: {  	v10 =	vmul.f32 v10, v11;
	v11 =	vand.u32 $0x3F, v12;
	v12 =	vor.u32 v7, v12  }
0xd8: {  	v14 =	vor.u32 v6, v11;
	v13 =	vpop (erf)  }
0xd9: {  	v10 =	vmul.f32 v13, v10  }
0xda: {  	v11 =	vadd.s32 s0, v0  }
0xdb: {  	v17 =	vor.u32 v7, v11;
	v13 =	vand.u32 $0x3F, v11;
	[tilespmem:s31+$0x10610] =	vst v10  }
0xdc: {  	v13 =	vor.u32 v6, v13;
	v10 =	vld.idx.msk [tilespmem:v12+s15+$0x0], $0xffff  }
0xdd: {  	v15 =	vld.idx.msk [tilespmem:v14+s16+$0x0], $0xffff  }
0xde: {  	v19 =	vld.idx.msk [tilespmem:v14+s15+$0x0], $0xffff  }
0xdf: {  	v20 =	vld.idx.msk [tilespmem:v14+s17+$0x0], $0xffff  }
0xe0: {  	v23 =	vld.idx.msk [tilespmem:v17+s15+$0x0], $0xffff  }
0xe1: {  	v21 =	vld.idx.msk [tilespmem:v13+s15+$0x0], $0xffff  }
0xe2: {  	v22 =	vld.idx.msk [tilespmem:v13+s17+$0x0], $0xffff  }
0xe3: {  	s2 =	simm.s32 $0x2;
	v24 =	vld.idx.msk [tilespmem:v13+s18+$0x0], $0xffff  }
0xe4: {  	v16 =	vadd.s32 s2, v3;
	v18 =	vld.idx.msk [tilespmem:v17+s18+$0x0], $0xffff  }
0xe5: {  	v26 =	vor.u32 v7, v16;
	v11 =	vimm.f32 $0.0e+00;
	v27 =	vld.idx.msk [tilespmem:v13+s16+$0x0], $0xffff;
	v13 =	vand.u32 $0x3F, v16  }
0xe6: {  	v25 =	vld.idx.msk [tilespmem:v14+s18+$0x0], $0xffff;
	v28 =	vor.u32 v6, v13;
	v13 =	vadd.s32 s2, v0;
	v31 =	vmul.f32 v20, v19  }
0xe7: {  	v16 =	vld.idx.msk [tilespmem:v17+s16+$0x0], $0xffff;
	v32 =	vand.u32 $0x3F, v13;
	v17 =	vor.u32 v7, v13;
	v30 =	vmul.f32 v22, v21;
	v21 =	vmovc v28  }
0xe8: {  	v19 =	vld.idx.msk [tilespmem:v12+s16+$0x0], $0xffff;
	v20 =	vimm.f32 $0.0e+00;
	v13 =	vimm.f32 $0.0e+00;
	v29 =	vmul.f32 v24, v23  }
0xe9: {  	s0 =	simm.s32 $0x4;
	v14 =	vmovc v26;
	v22 =	vimm.f32 $0.0e+00;
	v23 =	vimm.f32 $0.0e+00;
	v24 =	vld.idx.msk [tilespmem:v12+s18+$0x0], $0xffff;
	v12 =	vimm.f32 $0.0e+00  }
.LBB2_7:
0xea: {  	p0 =	sne.s32 s0, $0x3E;
	v32 =	vor.u32 v6, v32;
	v26 =	vld.idx.msk [tilespmem:v26+s15+$0x0], $0xffff;
	v27 =	vmul.f32 v30, v27;
	v30 =	vmul.f32 v31, v15  }
0xeb: {  	v15 =	vld.idx.msk [tilespmem:v28+s16+$0x0], $0xffff;
	v11 =	vadd.f32 v29, v11  }
0xec: {  	v16 =	vmul.f32 v18, v16;
	v29 =	vld.idx.msk [tilespmem:v21+s15+$0x0], $0xffff;
	v22 =	vadd.f32 v27, v22;
	v23 =	vadd.f32 v30, v23  }
0xed: {  	v18 =	vmul.f32 v25, v10;
	v31 =	vld.idx.msk [tilespmem:v21+s17+$0x0], $0xffff  }
0xee: {  	v12 =	vadd.f32 v16, v12;
	v33 =	vld.idx.msk [tilespmem:v17+s15+$0x0], $0xffff  }
0xef: {  	v20 =	vadd.f32 v18, v20;
	v16 =	vmul.f32 v24, v19;
	v30 =	vld.idx.msk [tilespmem:v32+s15+$0x0], $0xffff  }
0xf0: {  	v10 =	vmov v26;
	v19 =	vld.idx.msk [tilespmem:v32+s17+$0x0], $0xffff  }
0xf1: {  	v13 =	vadd.f32 v16, v13;
	v24 =	vld.idx.msk [tilespmem:v32+s18+$0x0], $0xffff  }
0xf2: {  	v16 =	vadd.s32 s0, v3;
	v27 =	vld.idx.msk [tilespmem:v32+s16+$0x0], $0xffff  }
.Ltmp2:
0xf3: {  	v18 =	vand.u32 $0x3F, v16;
	v26 =	vor.u32 v7, v16;
	v16 =	vld.idx.msk [tilespmem:v17+s16+$0x0], $0xffff;
	(pc) =	sbr.rel @p0 .LBB2_7-.Ltmp2, $4  }
0xf4: {  	v28 =	vor.u32 v6, v18;
	v18 =	vld.idx.msk [tilespmem:v17+s18+$0x0], $0xffff  }
0xf5: {  	v25 =	vld.idx.msk [tilespmem:v21+s18+$0x0], $0xffff;
	v21 =	vmov v28  }
0xf6: {  	v31 =	vmul.f32 v31, v29;
	v17 =	vadd.s32 s0, v0;
	v30 =	vmul.f32 v19, v30;
	v19 =	vld.idx.msk [tilespmem:v14+s16+$0x0], $0xffff  }
0xf7: {  	s0 =	sadd.s32 $0x2, s0;
	v32 =	vand.u32 $0x3F, v17;
	v17 =	vor.u32 v7, v17;
	v29 =	vmul.f32 v24, v33;
	v24 =	vld.idx.msk [tilespmem:v14+s18+$0x0], $0xffff;
	v14 =	vmovc v26  }
0xf8: {  	_ = 	snop  }
0xf9: {  	v32 =	vor.u32 v6, v32;
	_ =	sdelay $0x2  }
0xfa: {  	v33 =	vld.idx.msk [tilespmem:v21+s15+$0x0], $0xffff  }
0xfb: {  	v34 =	vld.idx.msk [tilespmem:v21+s17+$0x0], $0xffff  }
0xfc: {  	v35 =	vld.idx.msk [tilespmem:v32+s15+$0x0], $0xffff  }
0xfd: {  	v36 =	vld.idx.msk [tilespmem:v32+s17+$0x0], $0xffff  }
0xfe: {  	v28 =	vld.idx.msk [tilespmem:v28+s16+$0x0], $0xffff  }
0xff: {  	v37 =	vld.idx.msk [tilespmem:v32+s16+$0x0], $0xffff;
	_ =	sdelay $0x1  }
0x100: {  	v27 =	vmul.f32 v30, v27;
	v15 =	vmul.f32 v31, v15  }
0x101: {  	v31 =	vmul.f32 v34, v33;
	v30 =	vmul.f32 v36, v35  }
0x102: {  	v22 =	vadd.f32 v27, v22  }
0x103: {  	v15 =	vadd.f32 v15, v23;
	v27 =	vmul.f32 v31, v28;
	v23 =	vmul.f32 v30, v37;
	_ =	sdelay $0x1  }
0x104: {  	v15 =	vadd.f32 v27, v15;
	v22 =	vadd.f32 v23, v22;
	_ =	sdelay $0x1  }
0x105: {  	v15 =	vadd.f32 v15, v22  }
0x106: {  	v21 =	vld.idx.msk [tilespmem:v21+s18+$0x0], $0xffff  }
0x107: {  	v23 =	vld.idx.msk [tilespmem:v17+s15+$0x0], $0xffff;
	v15 =	vsub.f32 $0.0e+00, v15  }
0x108: {  	v22 =	vld.idx.msk [tilespmem:v26+s15+$0x0], $0xffff  }
0x109: {  	v26 =	vld.idx.msk [tilespmem:v32+s18+$0x0], $0xffff;
	v15 =	vmul.f32 $1.442695020e+00, v15;
	_ =	sdelay $0x1  }
0x10a: {  	(erf) = vpow2.f32 v15  }
0x10b: {  	v10 =	vmul.f32 v25, v10  }
0x10c: {  	v11 =	vadd.f32 v29, v11  }
0x10d: {  	v10 =	vadd.f32 v10, v20;
	v20 =	vmul.f32 v21, v22;
	v15 =	vmul.f32 v26, v23;
	_ =	sdelay $0x1  }
0x10e: {  	v10 =	vadd.f32 v20, v10;
	v11 =	vadd.f32 v15, v11;
	_ =	sdelay $0x1  }
0x10f: {  	v10 =	vadd.f32 v10, v11  }
0x110: {  	v15 =	vld.idx.msk [tilespmem:v17+s18+$0x0], $0xffff  }
0x111: {  	v11 =	vld.idx.msk [tilespmem:v17+s16+$0x0], $0xffff;
	v10 =	vsub.f32 $0.0e+00, v10;
	v17 =	vpop (erf)  }
0x112: {  	v20 =	vld.idx.msk [tilespmem:v14+s16+$0x0], $0xffff;
	v17 =	vadd.f32 $1.000000000e+00, v17  }
0x113: {  	v14 =	vld.idx.msk [tilespmem:v14+s18+$0x0], $0xffff;
	v10 =	vmul.f32 $1.442695020e+00, v10  }
0x114: {  	(erf) = vrcp.f32 v17  }
0x115: {  	v16 =	vmul.f32 v18, v16;
	(erf) = vpow2.f32 v10  }
0x116: {  	v10 =	vmul.f32 v24, v19  }
0x117: {  	v12 =	vadd.f32 v16, v12;
	v11 =	vmul.f32 v15, v11  }
0x118: {  	v10 =	vadd.f32 v10, v13;
	v13 =	vmul.f32 v14, v20  }
0x119: {  	v11 =	vadd.f32 v11, v12  }
0x11a: {  	v10 =	vadd.f32 v13, v10;
	_ =	sdelay $0x1  }
0x11b: {  	v10 =	vadd.f32 v10, v11  }
0x11c: {  	v11 =	vpop (erf)  }
0x11d: {  	v10 =	vsub.f32 $0.0e+00, v10;
	v12 =	vpop (erf)  }
0x11e: {  	v12 =	vadd.f32 $1.000000000e+00, v12  }
0x11f: {  	v10 =	vmul.f32 $1.442695020e+00, v10  }
0x120: {  	(erf) = vrcp.f32 v12  }
0x121: {  	(erf) = vpow2.f32 v10;
	_ =	sdelay $0x7  }
0x122: {  	v10 =	vpop (erf)  }
0x123: {  	v12 =	vpop (erf)  }
0x124: {  	v12 =	vadd.f32 $1.000000000e+00, v12;
	_ =	sdelay $0x1  }
0x125: {  	(erf) = vrcp.f32 v12;
	_ =	sdelay $0x5  }
0x126: {  	s0 =	simm.s32 $0x0;
	v11 =	vmul.f32 $2.000000000e+01, v11  }
0x127: {  	v12 =	vadd.s32 s0, v3  }
0x128: {  	v10 =	vmul.f32 v10, v11;
	v11 =	vand.u32 $0x3F, v12;
	v12 =	vor.u32 v9, v12  }
0x129: {  	v14 =	vor.u32 v8, v11;
	v13 =	vpop (erf)  }
0x12a: {  	v10 =	vmul.f32 v13, v10  }
0x12b: {  	v11 =	vadd.s32 s0, v0  }
0x12c: {  	v17 =	vor.u32 v9, v11;
	v13 =	vand.u32 $0x3F, v11;
	[tilespmem:s31+$0x10620] =	vst v10  }
0x12d: {  	v13 =	vor.u32 v8, v13;
	v10 =	vld.idx.msk [tilespmem:v12+s15+$0x0], $0xffff  }
0x12e: {  	v15 =	vld.idx.msk [tilespmem:v14+s16+$0x0], $0xffff  }
0x12f: {  	v19 =	vld.idx.msk [tilespmem:v14+s15+$0x0], $0xffff  }
0x130: {  	v20 =	vld.idx.msk [tilespmem:v14+s17+$0x0], $0xffff  }
0x131: {  	v23 =	vld.idx.msk [tilespmem:v17+s15+$0x0], $0xffff  }
0x132: {  	v21 =	vld.idx.msk [tilespmem:v13+s15+$0x0], $0xffff  }
0x133: {  	v22 =	vld.idx.msk [tilespmem:v13+s17+$0x0], $0xffff  }
0x134: {  	s2 =	simm.s32 $0x2;
	v24 =	vld.idx.msk [tilespmem:v13+s18+$0x0], $0xffff  }
0x135: {  	v16 =	vadd.s32 s2, v3;
	v18 =	vld.idx.msk [tilespmem:v17+s18+$0x0], $0xffff  }
0x136: {  	v26 =	vor.u32 v9, v16;
	v11 =	vimm.f32 $0.0e+00;
	v27 =	vld.idx.msk [tilespmem:v13+s16+$0x0], $0xffff;
	v13 =	vand.u32 $0x3F, v16  }
0x137: {  	v25 =	vld.idx.msk [tilespmem:v14+s18+$0x0], $0xffff;
	v28 =	vor.u32 v8, v13;
	v13 =	vadd.s32 s2, v0;
	v31 =	vmul.f32 v20, v19  }
0x138: {  	v16 =	vld.idx.msk [tilespmem:v17+s16+$0x0], $0xffff;
	v32 =	vand.u32 $0x3F, v13;
	v17 =	vor.u32 v9, v13;
	v30 =	vmul.f32 v22, v21;
	v21 =	vmovc v28  }
0x139: {  	v19 =	vld.idx.msk [tilespmem:v12+s16+$0x0], $0xffff;
	v20 =	vimm.f32 $0.0e+00;
	v13 =	vimm.f32 $0.0e+00;
	v29 =	vmul.f32 v24, v23  }
0x13a: {  	s0 =	simm.s32 $0x4;
	v14 =	vmovc v26;
	v22 =	vimm.f32 $0.0e+00;
	v23 =	vimm.f32 $0.0e+00;
	v24 =	vld.idx.msk [tilespmem:v12+s18+$0x0], $0xffff;
	v12 =	vimm.f32 $0.0e+00  }
.LBB2_9:
0x13b: {  	p0 =	sne.s32 s0, $0x3E;
	v32 =	vor.u32 v8, v32;
	v26 =	vld.idx.msk [tilespmem:v26+s15+$0x0], $0xffff;
	v27 =	vmul.f32 v30, v27;
	v30 =	vmul.f32 v31, v15  }
0x13c: {  	v15 =	vld.idx.msk [tilespmem:v28+s16+$0x0], $0xffff;
	v11 =	vadd.f32 v29, v11  }
0x13d: {  	v16 =	vmul.f32 v18, v16;
	v29 =	vld.idx.msk [tilespmem:v21+s15+$0x0], $0xffff;
	v22 =	vadd.f32 v27, v22;
	v23 =	vadd.f32 v30, v23  }
0x13e: {  	v18 =	vmul.f32 v25, v10;
	v31 =	vld.idx.msk [tilespmem:v21+s17+$0x0], $0xffff  }
0x13f: {  	v12 =	vadd.f32 v16, v12;
	v33 =	vld.idx.msk [tilespmem:v17+s15+$0x0], $0xffff  }
0x140: {  	v20 =	vadd.f32 v18, v20;
	v16 =	vmul.f32 v24, v19;
	v30 =	vld.idx.msk [tilespmem:v32+s15+$0x0], $0xffff  }
0x141: {  	v10 =	vmov v26;
	v19 =	vld.idx.msk [tilespmem:v32+s17+$0x0], $0xffff  }
0x142: {  	v13 =	vadd.f32 v16, v13;
	v24 =	vld.idx.msk [tilespmem:v32+s18+$0x0], $0xffff  }
0x143: {  	v16 =	vadd.s32 s0, v3;
	v27 =	vld.idx.msk [tilespmem:v32+s16+$0x0], $0xffff  }
.Ltmp3:
0x144: {  	v18 =	vand.u32 $0x3F, v16;
	v26 =	vor.u32 v9, v16;
	v16 =	vld.idx.msk [tilespmem:v17+s16+$0x0], $0xffff;
	(pc) =	sbr.rel @p0 .LBB2_9-.Ltmp3, $4  }
0x145: {  	v28 =	vor.u32 v8, v18;
	v18 =	vld.idx.msk [tilespmem:v17+s18+$0x0], $0xffff  }
0x146: {  	v25 =	vld.idx.msk [tilespmem:v21+s18+$0x0], $0xffff;
	v21 =	vmov v28  }
0x147: {  	v31 =	vmul.f32 v31, v29;
	v17 =	vadd.s32 s0, v0;
	v30 =	vmul.f32 v19, v30;
	v19 =	vld.idx.msk [tilespmem:v14+s16+$0x0], $0xffff  }
0x148: {  	s0 =	sadd.s32 $0x2, s0;
	v32 =	vand.u32 $0x3F, v17;
	v17 =	vor.u32 v9, v17;
	v29 =	vmul.f32 v24, v33;
	v24 =	vld.idx.msk [tilespmem:v14+s18+$0x0], $0xffff;
	v14 =	vmovc v26  }
0x149: {  	_ = 	snop  }
0x14a: {  	v32 =	vor.u32 v8, v32;
	_ =	sdelay $0x2  }
0x14b: {  	v33 =	vld.idx.msk [tilespmem:v21+s15+$0x0], $0xffff  }
0x14c: {  	v34 =	vld.idx.msk [tilespmem:v21+s17+$0x0], $0xffff  }
0x14d: {  	v35 =	vld.idx.msk [tilespmem:v32+s15+$0x0], $0xffff  }
0x14e: {  	v36 =	vld.idx.msk [tilespmem:v32+s17+$0x0], $0xffff  }
0x14f: {  	v28 =	vld.idx.msk [tilespmem:v28+s16+$0x0], $0xffff  }
0x150: {  	v37 =	vld.idx.msk [tilespmem:v32+s16+$0x0], $0xffff;
	_ =	sdelay $0x1  }
0x151: {  	v27 =	vmul.f32 v30, v27;
	v15 =	vmul.f32 v31, v15  }
0x152: {  	v31 =	vmul.f32 v34, v33;
	v30 =	vmul.f32 v36, v35  }
0x153: {  	v22 =	vadd.f32 v27, v22  }
0x154: {  	v15 =	vadd.f32 v15, v23;
	v27 =	vmul.f32 v31, v28;
	v23 =	vmul.f32 v30, v37;
	_ =	sdelay $0x1  }
0x155: {  	v15 =	vadd.f32 v27, v15;
	v22 =	vadd.f32 v23, v22;
	_ =	sdelay $0x1  }
0x156: {  	v15 =	vadd.f32 v15, v22  }
0x157: {  	v21 =	vld.idx.msk [tilespmem:v21+s18+$0x0], $0xffff  }
0x158: {  	v23 =	vld.idx.msk [tilespmem:v17+s15+$0x0], $0xffff;
	v15 =	vsub.f32 $0.0e+00, v15  }
0x159: {  	v22 =	vld.idx.msk [tilespmem:v26+s15+$0x0], $0xffff  }
0x15a: {  	v26 =	vld.idx.msk [tilespmem:v32+s18+$0x0], $0xffff;
	v15 =	vmul.f32 $1.442695020e+00, v15;
	_ =	sdelay $0x1  }
0x15b: {  	(erf) = vpow2.f32 v15  }
0x15c: {  	v10 =	vmul.f32 v25, v10  }
0x15d: {  	v11 =	vadd.f32 v29, v11  }
0x15e: {  	v10 =	vadd.f32 v10, v20;
	v20 =	vmul.f32 v21, v22;
	v15 =	vmul.f32 v26, v23;
	_ =	sdelay $0x1  }
0x15f: {  	v10 =	vadd.f32 v20, v10;
	v11 =	vadd.f32 v15, v11;
	_ =	sdelay $0x1  }
0x160: {  	v10 =	vadd.f32 v10, v11  }
0x161: {  	v15 =	vld.idx.msk [tilespmem:v17+s18+$0x0], $0xffff  }
0x162: {  	v11 =	vld.idx.msk [tilespmem:v17+s16+$0x0], $0xffff;
	v10 =	vsub.f32 $0.0e+00, v10;
	v17 =	vpop (erf)  }
0x163: {  	v20 =	vld.idx.msk [tilespmem:v14+s16+$0x0], $0xffff;
	v17 =	vadd.f32 $1.000000000e+00, v17  }
0x164: {  	v14 =	vld.idx.msk [tilespmem:v14+s18+$0x0], $0xffff;
	v10 =	vmul.f32 $1.442695020e+00, v10  }
0x165: {  	(erf) = vrcp.f32 v17  }
0x166: {  	v16 =	vmul.f32 v18, v16;
	(erf) = vpow2.f32 v10  }
0x167: {  	v10 =	vmul.f32 v24, v19  }
0x168: {  	v12 =	vadd.f32 v16, v12;
	v11 =	vmul.f32 v15, v11  }
0x169: {  	v10 =	vadd.f32 v10, v13;
	v13 =	vmul.f32 v14, v20  }
0x16a: {  	v11 =	vadd.f32 v11, v12  }
0x16b: {  	v10 =	vadd.f32 v13, v10;
	_ =	sdelay $0x1  }
0x16c: {  	v10 =	vadd.f32 v10, v11  }
0x16d: {  	v11 =	vpop (erf)  }
0x16e: {  	v10 =	vsub.f32 $0.0e+00, v10;
	v12 =	vpop (erf)  }
0x16f: {  	v12 =	vadd.f32 $1.000000000e+00, v12  }
0x170: {  	v10 =	vmul.f32 $1.442695020e+00, v10  }
0x171: {  	(erf) = vrcp.f32 v12  }
0x172: {  	(erf) = vpow2.f32 v10;
	_ =	sdelay $0x7  }
0x173: {  	v10 =	vpop (erf)  }
0x174: {  	v12 =	vpop (erf)  }
0x175: {  	v12 =	vadd.f32 $1.000000000e+00, v12;
	_ =	sdelay $0x1  }
0x176: {  	(erf) = vrcp.f32 v12;
	_ =	sdelay $0x4  }
0x177: {  	v11 =	vmul.f32 $2.000000000e+01, v11;
	_ =	sdelay $0x2  }
0x178: {  	v10 =	vmul.f32 v10, v11  }
0x179: {  	v11 =	vpop (erf)  }
0x17a: {  	v10 =	vmul.f32 v11, v10  }
0x17b: {  	p0 =	seq.s32 s28, $0x3  }
0x17c: {  	s0 =	sadd.s32 @!p0 $0x80, s29;
	s2 =	simm.s32 @!p0 $0x600;
	[tilespmem:s31+$0x10630] =	vst v10;
	s31 =	simm.s32 @!p0 $0x40  }
0x17d: {  	[tilespmem:s2], [sflag:$0x1] =	stream.indirect.gather @!p0 [hbm4b:s3+s31], $0x80, s0, s31, $0xb8;
	[tilespmem:$0x10800] =	vst v63  }
0x17e: {  	s0 =	sadd.s32 @!p0 $0x480, s29;
	s2 =	simm.s32 @!p0 $0x2600  }
0x17f: {  	[tilespmem:s2], [sflag:$0x1] =	stream.indirect.gather @!p0 [hbm4b:s3+s31], $0x80, s0, s31, $0xb8;
	[tilespmem:$0x10800] =	vst v63  }
0x180: {  	s0 =	sadd.s32 @!p0 $0x280, s29;
	s2 =	simm.s32 @!p0 $0x4600  }
0x181: {  	[tilespmem:s2], [sflag:$0x1] =	stream.indirect.gather @!p0 [hbm4b:s4+s31], $0x80, s0, s31, $0xb8;
	[tilespmem:$0x10800] =	vst v63  }
0x182: {  	s2 =	simm.s32 @!p0 $0x6600  }
0x183: {  	[tilespmem:s2], [sflag:$0x1] =	stream.indirect.gather @!p0 [hbm4b:s5+s31], $0x80, s0, s31, $0xb8;
	[tilespmem:$0x10800] =	vst v63  }
0x184: {  	_ =	swait.ge [sflag:s24], $0x2000  }
0x185: {  	[sflag:s24] =	ssyncset.done $0x0  }
0x186: {  	[sflag:s24] =	ssyncadd.s32 $0xFFFFE000  }
0x187: {  	_ =	swait.ge [sflag:s24], $0x2000  }
0x188: {  	[sflag:s24] =	ssyncset.done $0x0  }
0x189: {  	s2 =	simm.s32 $0x0;
	[sflag:s24] =	ssyncadd.s32 $0xFFFFE000  }
0x18a: {  	v10 =	vadd.s32 s2, v3;
	_ =	swait.ge [sflag:s24], $0x2000  }
0x18b: {  	v11 =	vand.u32 $0x3F, v10;
	v12 =	vor.u32 v2, v10;
	[sflag:s24] =	ssyncset.done $0x0  }
0x18c: {  	v13 =	vor.u32 v1, v11;
	[sflag:s24] =	ssyncadd.s32 $0xFFFFE000  }
0x18d: {  	v11 =	vadd.s32 s2, v0;
	_ =	swait.ge [sflag:s24], $0x2000  }
0x18e: {  	v10 =	vand.u32 $0x3F, v11;
	[sflag:s24] =	ssyncset.done $0x0  }
0x18f: {  	v14 =	vor.u32 v1, v10;
	[sflag:s24] =	ssyncadd.s32 $0xFFFFE000  }
0x190: {  	v10 =	vld.idx.msk [tilespmem:v12+s19+$0x0], $0xffff  }
0x191: {  	v17 =	vor.u32 v2, v11;
	v15 =	vld.idx.msk [tilespmem:v13+s20+$0x0], $0xffff  }
0x192: {  	v19 =	vld.idx.msk [tilespmem:v13+s19+$0x0], $0xffff  }
0x193: {  	v20 =	vld.idx.msk [tilespmem:v13+s21+$0x0], $0xffff  }
0x194: {  	v21 =	vld.idx.msk [tilespmem:v14+s19+$0x0], $0xffff  }
0x195: {  	v22 =	vld.idx.msk [tilespmem:v14+s21+$0x0], $0xffff  }
0x196: {  	v23 =	vld.idx.msk [tilespmem:v17+s19+$0x0], $0xffff  }
0x197: {  	s31 =	simm.s32 $0x2;
	v24 =	vld.idx.msk [tilespmem:v14+s22+$0x0], $0xffff  }
0x198: {  	v16 =	vadd.s32 s31, v3;
	v27 =	vld.idx.msk [tilespmem:v14+s20+$0x0], $0xffff  }
0x199: {  	v26 =	vor.u32 v2, v16;
	v11 =	vimm.f32 $0.0e+00;
	v14 =	vand.u32 $0x3F, v16;
	v16 =	vld.idx.msk [tilespmem:v17+s20+$0x0], $0xffff  }
0x19a: {  	v25 =	vld.idx.msk [tilespmem:v13+s22+$0x0], $0xffff;
	v13 =	vimm.f32 $0.0e+00;
	v28 =	vor.u32 v1, v14;
	v14 =	vadd.s32 s31, v0  }
0x19b: {  	v18 =	vld.idx.msk [tilespmem:v17+s22+$0x0], $0xffff;
	v32 =	vand.u32 $0x3F, v14;
	v17 =	vor.u32 v2, v14;
	v30 =	vmul.f32 v22, v21;
	v21 =	vmovc v28  }
0x19c: {  	v31 =	vmul.f32 v20, v19;
	v19 =	vld.idx.msk [tilespmem:v12+s20+$0x0], $0xffff;
	v29 =	vmul.f32 v24, v23;
	v22 =	vimm.f32 $0.0e+00  }
0x19d: {  	s0 =	simm.s32 $0x4;
	v14 =	vmovc v26;
	v23 =	vimm.f32 $0.0e+00;
	v24 =	vld.idx.msk [tilespmem:v12+s22+$0x0], $0xffff;
	v12 =	vimm.f32 $0.0e+00;
	v20 =	vimm.f32 $0.0e+00  }
.LBB2_11:
0x19e: {  	p0 =	sne.s32 s0, $0x3E;
	v32 =	vor.u32 v1, v32;
	v26 =	vld.idx.msk [tilespmem:v26+s19+$0x0], $0xffff;
	v27 =	vmul.f32 v30, v27;
	v30 =	vmul.f32 v31, v15  }
0x19f: {  	v15 =	vld.idx.msk [tilespmem:v28+s20+$0x0], $0xffff;
	v11 =	vadd.f32 v29, v11  }
0x1a0: {  	v16 =	vmul.f32 v18, v16;
	v29 =	vld.idx.msk [tilespmem:v21+s19+$0x0], $0xffff;
	v22 =	vadd.f32 v27, v22;
	v23 =	vadd.f32 v30, v23  }
0x1a1: {  	v18 =	vmul.f32 v25, v10;
	v31 =	vld.idx.msk [tilespmem:v21+s21+$0x0], $0xffff  }
0x1a2: {  	v12 =	vadd.f32 v16, v12;
	v33 =	vld.idx.msk [tilespmem:v17+s19+$0x0], $0xffff  }
0x1a3: {  	v20 =	vadd.f32 v18, v20;
	v16 =	vmul.f32 v24, v19;
	v30 =	vld.idx.msk [tilespmem:v32+s19+$0x0], $0xffff  }
0x1a4: {  	v10 =	vmov v26;
	v19 =	vld.idx.msk [tilespmem:v32+s21+$0x0], $0xffff  }
0x1a5: {  	v13 =	vadd.f32 v16, v13;
	v24 =	vld.idx.msk [tilespmem:v32+s22+$0x0], $0xffff  }
0x1a6: {  	v16 =	vadd.s32 s0, v3;
	v27 =	vld.idx.msk [tilespmem:v32+s20+$0x0], $0xffff  }
.Ltmp4:
0x1a7: {  	v18 =	vand.u32 $0x3F, v16;
	v26 =	vor.u32 v2, v16;
	v16 =	vld.idx.msk [tilespmem:v17+s20+$0x0], $0xffff;
	(pc) =	sbr.rel @p0 .LBB2_11-.Ltmp4, $4  }
0x1a8: {  	v28 =	vor.u32 v1, v18;
	v18 =	vld.idx.msk [tilespmem:v17+s22+$0x0], $0xffff  }
0x1a9: {  	v25 =	vld.idx.msk [tilespmem:v21+s22+$0x0], $0xffff;
	v21 =	vmov v28  }
0x1aa: {  	v31 =	vmul.f32 v31, v29;
	v17 =	vadd.s32 s0, v0;
	v30 =	vmul.f32 v19, v30;
	v19 =	vld.idx.msk [tilespmem:v14+s20+$0x0], $0xffff  }
0x1ab: {  	s0 =	sadd.s32 $0x2, s0;
	v32 =	vand.u32 $0x3F, v17;
	v17 =	vor.u32 v2, v17;
	v29 =	vmul.f32 v24, v33;
	v24 =	vld.idx.msk [tilespmem:v14+s22+$0x0], $0xffff;
	v14 =	vmovc v26  }
0x1ac: {  	_ = 	snop  }
0x1ad: {  	v32 =	vor.u32 v1, v32;
	_ =	sdelay $0x2  }
0x1ae: {  	v33 =	vld.idx.msk [tilespmem:v21+s19+$0x0], $0xffff  }
0x1af: {  	v34 =	vld.idx.msk [tilespmem:v21+s21+$0x0], $0xffff  }
0x1b0: {  	v35 =	vld.idx.msk [tilespmem:v32+s19+$0x0], $0xffff  }
0x1b1: {  	v36 =	vld.idx.msk [tilespmem:v32+s21+$0x0], $0xffff  }
0x1b2: {  	v28 =	vld.idx.msk [tilespmem:v28+s20+$0x0], $0xffff  }
0x1b3: {  	v37 =	vld.idx.msk [tilespmem:v32+s20+$0x0], $0xffff;
	_ =	sdelay $0x1  }
0x1b4: {  	v27 =	vmul.f32 v30, v27;
	v15 =	vmul.f32 v31, v15  }
0x1b5: {  	v31 =	vmul.f32 v34, v33;
	v30 =	vmul.f32 v36, v35  }
0x1b6: {  	v22 =	vadd.f32 v27, v22  }
0x1b7: {  	v15 =	vadd.f32 v15, v23;
	v27 =	vmul.f32 v31, v28;
	v23 =	vmul.f32 v30, v37;
	_ =	sdelay $0x1  }
0x1b8: {  	v15 =	vadd.f32 v27, v15;
	v22 =	vadd.f32 v23, v22;
	_ =	sdelay $0x1  }
0x1b9: {  	v15 =	vadd.f32 v15, v22  }
0x1ba: {  	v21 =	vld.idx.msk [tilespmem:v21+s22+$0x0], $0xffff  }
0x1bb: {  	v23 =	vld.idx.msk [tilespmem:v17+s19+$0x0], $0xffff;
	v15 =	vsub.f32 $0.0e+00, v15  }
0x1bc: {  	v22 =	vld.idx.msk [tilespmem:v26+s19+$0x0], $0xffff  }
0x1bd: {  	v26 =	vld.idx.msk [tilespmem:v32+s22+$0x0], $0xffff;
	v15 =	vmul.f32 $1.442695020e+00, v15;
	_ =	sdelay $0x1  }
0x1be: {  	(erf) = vpow2.f32 v15  }
0x1bf: {  	v10 =	vmul.f32 v25, v10  }
0x1c0: {  	v11 =	vadd.f32 v29, v11  }
0x1c1: {  	v10 =	vadd.f32 v10, v20;
	v20 =	vmul.f32 v21, v22;
	v15 =	vmul.f32 v26, v23;
	_ =	sdelay $0x1  }
0x1c2: {  	v10 =	vadd.f32 v20, v10;
	v11 =	vadd.f32 v15, v11;
	_ =	sdelay $0x1  }
0x1c3: {  	v10 =	vadd.f32 v10, v11  }
0x1c4: {  	v15 =	vld.idx.msk [tilespmem:v17+s22+$0x0], $0xffff  }
0x1c5: {  	v11 =	vld.idx.msk [tilespmem:v17+s20+$0x0], $0xffff;
	v10 =	vsub.f32 $0.0e+00, v10;
	v17 =	vpop (erf)  }
0x1c6: {  	v20 =	vld.idx.msk [tilespmem:v14+s20+$0x0], $0xffff;
	v17 =	vadd.f32 $1.000000000e+00, v17  }
0x1c7: {  	v14 =	vld.idx.msk [tilespmem:v14+s22+$0x0], $0xffff;
	v10 =	vmul.f32 $1.442695020e+00, v10  }
0x1c8: {  	(erf) = vrcp.f32 v17  }
0x1c9: {  	v16 =	vmul.f32 v18, v16;
	(erf) = vpow2.f32 v10  }
0x1ca: {  	v10 =	vmul.f32 v24, v19  }
0x1cb: {  	v12 =	vadd.f32 v16, v12;
	v11 =	vmul.f32 v15, v11  }
0x1cc: {  	v10 =	vadd.f32 v10, v13;
	v13 =	vmul.f32 v14, v20  }
0x1cd: {  	v11 =	vadd.f32 v11, v12  }
0x1ce: {  	v10 =	vadd.f32 v13, v10;
	_ =	sdelay $0x1  }
0x1cf: {  	v10 =	vadd.f32 v10, v11  }
0x1d0: {  	v11 =	vpop (erf)  }
0x1d1: {  	v10 =	vsub.f32 $0.0e+00, v10;
	v12 =	vpop (erf)  }
0x1d2: {  	v12 =	vadd.f32 $1.000000000e+00, v12  }
0x1d3: {  	v10 =	vmul.f32 $1.442695020e+00, v10  }
0x1d4: {  	(erf) = vrcp.f32 v12  }
0x1d5: {  	(erf) = vpow2.f32 v10;
	_ =	sdelay $0x7  }
0x1d6: {  	v10 =	vpop (erf)  }
0x1d7: {  	v12 =	vpop (erf)  }
0x1d8: {  	v12 =	vadd.f32 $1.000000000e+00, v12;
	_ =	sdelay $0x1  }
0x1d9: {  	(erf) = vrcp.f32 v12;
	_ =	sdelay $0x5  }
0x1da: {  	s0 =	simm.s32 $0x0;
	v11 =	vmul.f32 $2.000000000e+01, v11  }
0x1db: {  	v12 =	vadd.s32 s0, v3  }
0x1dc: {  	v10 =	vmul.f32 v10, v11;
	v11 =	vand.u32 $0x3F, v12;
	v12 =	vor.u32 v5, v12  }
0x1dd: {  	v14 =	vor.u32 v4, v11;
	v13 =	vpop (erf)  }
0x1de: {  	v10 =	vmul.f32 v13, v10  }
0x1df: {  	v11 =	vadd.s32 s0, v0  }
0x1e0: {  	v17 =	vor.u32 v5, v11;
	v13 =	vand.u32 $0x3F, v11;
	[tilespmem:s30+$0x10600] =	vst v10  }
0x1e1: {  	v13 =	vor.u32 v4, v13;
	v10 =	vld.idx.msk [tilespmem:v12+s19+$0x0], $0xffff  }
0x1e2: {  	v15 =	vld.idx.msk [tilespmem:v14+s20+$0x0], $0xffff  }
0x1e3: {  	v19 =	vld.idx.msk [tilespmem:v14+s19+$0x0], $0xffff  }
0x1e4: {  	v20 =	vld.idx.msk [tilespmem:v14+s21+$0x0], $0xffff  }
0x1e5: {  	v23 =	vld.idx.msk [tilespmem:v17+s19+$0x0], $0xffff  }
0x1e6: {  	v21 =	vld.idx.msk [tilespmem:v13+s19+$0x0], $0xffff  }
0x1e7: {  	v22 =	vld.idx.msk [tilespmem:v13+s21+$0x0], $0xffff  }
0x1e8: {  	s31 =	simm.s32 $0x2;
	v24 =	vld.idx.msk [tilespmem:v13+s22+$0x0], $0xffff  }
0x1e9: {  	v16 =	vadd.s32 s31, v3;
	v18 =	vld.idx.msk [tilespmem:v17+s22+$0x0], $0xffff  }
0x1ea: {  	v26 =	vor.u32 v5, v16;
	v11 =	vimm.f32 $0.0e+00;
	v27 =	vld.idx.msk [tilespmem:v13+s20+$0x0], $0xffff;
	v13 =	vand.u32 $0x3F, v16  }
0x1eb: {  	v25 =	vld.idx.msk [tilespmem:v14+s22+$0x0], $0xffff;
	v28 =	vor.u32 v4, v13;
	v13 =	vadd.s32 s31, v0;
	v31 =	vmul.f32 v20, v19  }
0x1ec: {  	v16 =	vld.idx.msk [tilespmem:v17+s20+$0x0], $0xffff;
	v32 =	vand.u32 $0x3F, v13;
	v17 =	vor.u32 v5, v13;
	v30 =	vmul.f32 v22, v21;
	v21 =	vmovc v28  }
0x1ed: {  	v19 =	vld.idx.msk [tilespmem:v12+s20+$0x0], $0xffff;
	v20 =	vimm.f32 $0.0e+00;
	v13 =	vimm.f32 $0.0e+00;
	v29 =	vmul.f32 v24, v23  }
0x1ee: {  	s0 =	simm.s32 $0x4;
	v14 =	vmovc v26;
	v22 =	vimm.f32 $0.0e+00;
	v23 =	vimm.f32 $0.0e+00;
	v24 =	vld.idx.msk [tilespmem:v12+s22+$0x0], $0xffff;
	v12 =	vimm.f32 $0.0e+00  }
.LBB2_13:
0x1ef: {  	p0 =	sne.s32 s0, $0x3E;
	v32 =	vor.u32 v4, v32;
	v26 =	vld.idx.msk [tilespmem:v26+s19+$0x0], $0xffff;
	v27 =	vmul.f32 v30, v27;
	v30 =	vmul.f32 v31, v15  }
0x1f0: {  	v15 =	vld.idx.msk [tilespmem:v28+s20+$0x0], $0xffff;
	v11 =	vadd.f32 v29, v11  }
0x1f1: {  	v16 =	vmul.f32 v18, v16;
	v29 =	vld.idx.msk [tilespmem:v21+s19+$0x0], $0xffff;
	v22 =	vadd.f32 v27, v22;
	v23 =	vadd.f32 v30, v23  }
0x1f2: {  	v18 =	vmul.f32 v25, v10;
	v31 =	vld.idx.msk [tilespmem:v21+s21+$0x0], $0xffff  }
0x1f3: {  	v12 =	vadd.f32 v16, v12;
	v33 =	vld.idx.msk [tilespmem:v17+s19+$0x0], $0xffff  }
0x1f4: {  	v20 =	vadd.f32 v18, v20;
	v16 =	vmul.f32 v24, v19;
	v30 =	vld.idx.msk [tilespmem:v32+s19+$0x0], $0xffff  }
0x1f5: {  	v10 =	vmov v26;
	v19 =	vld.idx.msk [tilespmem:v32+s21+$0x0], $0xffff  }
0x1f6: {  	v13 =	vadd.f32 v16, v13;
	v24 =	vld.idx.msk [tilespmem:v32+s22+$0x0], $0xffff  }
0x1f7: {  	v16 =	vadd.s32 s0, v3;
	v27 =	vld.idx.msk [tilespmem:v32+s20+$0x0], $0xffff  }
.Ltmp5:
0x1f8: {  	v18 =	vand.u32 $0x3F, v16;
	v26 =	vor.u32 v5, v16;
	v16 =	vld.idx.msk [tilespmem:v17+s20+$0x0], $0xffff;
	(pc) =	sbr.rel @p0 .LBB2_13-.Ltmp5, $4  }
0x1f9: {  	v28 =	vor.u32 v4, v18;
	v18 =	vld.idx.msk [tilespmem:v17+s22+$0x0], $0xffff  }
0x1fa: {  	v25 =	vld.idx.msk [tilespmem:v21+s22+$0x0], $0xffff;
	v21 =	vmov v28  }
0x1fb: {  	v31 =	vmul.f32 v31, v29;
	v17 =	vadd.s32 s0, v0;
	v30 =	vmul.f32 v19, v30;
	v19 =	vld.idx.msk [tilespmem:v14+s20+$0x0], $0xffff  }
0x1fc: {  	s0 =	sadd.s32 $0x2, s0;
	v32 =	vand.u32 $0x3F, v17;
	v17 =	vor.u32 v5, v17;
	v29 =	vmul.f32 v24, v33;
	v24 =	vld.idx.msk [tilespmem:v14+s22+$0x0], $0xffff;
	v14 =	vmovc v26  }
0x1fd: {  	_ = 	snop  }
0x1fe: {  	v32 =	vor.u32 v4, v32;
	_ =	sdelay $0x2  }
0x1ff: {  	v33 =	vld.idx.msk [tilespmem:v21+s19+$0x0], $0xffff  }
0x200: {  	v34 =	vld.idx.msk [tilespmem:v21+s21+$0x0], $0xffff  }
0x201: {  	v35 =	vld.idx.msk [tilespmem:v32+s19+$0x0], $0xffff  }
0x202: {  	v36 =	vld.idx.msk [tilespmem:v32+s21+$0x0], $0xffff  }
0x203: {  	v28 =	vld.idx.msk [tilespmem:v28+s20+$0x0], $0xffff  }
0x204: {  	v37 =	vld.idx.msk [tilespmem:v32+s20+$0x0], $0xffff;
	_ =	sdelay $0x1  }
0x205: {  	v27 =	vmul.f32 v30, v27;
	v15 =	vmul.f32 v31, v15  }
0x206: {  	v31 =	vmul.f32 v34, v33;
	v30 =	vmul.f32 v36, v35  }
0x207: {  	v22 =	vadd.f32 v27, v22  }
0x208: {  	v15 =	vadd.f32 v15, v23;
	v27 =	vmul.f32 v31, v28;
	v23 =	vmul.f32 v30, v37;
	_ =	sdelay $0x1  }
0x209: {  	v15 =	vadd.f32 v27, v15;
	v22 =	vadd.f32 v23, v22;
	_ =	sdelay $0x1  }
0x20a: {  	v15 =	vadd.f32 v15, v22  }
0x20b: {  	v21 =	vld.idx.msk [tilespmem:v21+s22+$0x0], $0xffff  }
0x20c: {  	v23 =	vld.idx.msk [tilespmem:v17+s19+$0x0], $0xffff;
	v15 =	vsub.f32 $0.0e+00, v15  }
0x20d: {  	v22 =	vld.idx.msk [tilespmem:v26+s19+$0x0], $0xffff  }
0x20e: {  	v26 =	vld.idx.msk [tilespmem:v32+s22+$0x0], $0xffff;
	v15 =	vmul.f32 $1.442695020e+00, v15;
	_ =	sdelay $0x1  }
0x20f: {  	(erf) = vpow2.f32 v15  }
0x210: {  	v10 =	vmul.f32 v25, v10  }
0x211: {  	v11 =	vadd.f32 v29, v11  }
0x212: {  	v10 =	vadd.f32 v10, v20;
	v20 =	vmul.f32 v21, v22;
	v15 =	vmul.f32 v26, v23;
	_ =	sdelay $0x1  }
0x213: {  	v10 =	vadd.f32 v20, v10;
	v11 =	vadd.f32 v15, v11;
	_ =	sdelay $0x1  }
0x214: {  	v10 =	vadd.f32 v10, v11  }
0x215: {  	v15 =	vld.idx.msk [tilespmem:v17+s22+$0x0], $0xffff  }
0x216: {  	v11 =	vld.idx.msk [tilespmem:v17+s20+$0x0], $0xffff;
	v10 =	vsub.f32 $0.0e+00, v10;
	v17 =	vpop (erf)  }
0x217: {  	v20 =	vld.idx.msk [tilespmem:v14+s20+$0x0], $0xffff;
	v17 =	vadd.f32 $1.000000000e+00, v17  }
0x218: {  	v14 =	vld.idx.msk [tilespmem:v14+s22+$0x0], $0xffff;
	v10 =	vmul.f32 $1.442695020e+00, v10  }
0x219: {  	(erf) = vrcp.f32 v17  }
0x21a: {  	v16 =	vmul.f32 v18, v16;
	(erf) = vpow2.f32 v10  }
0x21b: {  	v10 =	vmul.f32 v24, v19  }
0x21c: {  	v12 =	vadd.f32 v16, v12;
	v11 =	vmul.f32 v15, v11  }
0x21d: {  	v10 =	vadd.f32 v10, v13;
	v13 =	vmul.f32 v14, v20  }
0x21e: {  	v11 =	vadd.f32 v11, v12  }
0x21f: {  	v10 =	vadd.f32 v13, v10;
	_ =	sdelay $0x1  }
0x220: {  	v10 =	vadd.f32 v10, v11  }
0x221: {  	v11 =	vpop (erf)  }
0x222: {  	v10 =	vsub.f32 $0.0e+00, v10;
	v12 =	vpop (erf)  }
0x223: {  	v12 =	vadd.f32 $1.000000000e+00, v12  }
0x224: {  	v10 =	vmul.f32 $1.442695020e+00, v10  }
0x225: {  	(erf) = vrcp.f32 v12  }
0x226: {  	(erf) = vpow2.f32 v10;
	_ =	sdelay $0x7  }
0x227: {  	v10 =	vpop (erf)  }
0x228: {  	v12 =	vpop (erf)  }
0x229: {  	v12 =	vadd.f32 $1.000000000e+00, v12;
	_ =	sdelay $0x1  }
0x22a: {  	(erf) = vrcp.f32 v12;
	_ =	sdelay $0x5  }
0x22b: {  	s0 =	simm.s32 $0x0;
	v11 =	vmul.f32 $2.000000000e+01, v11  }
0x22c: {  	v12 =	vadd.s32 s0, v3  }
0x22d: {  	v10 =	vmul.f32 v10, v11;
	v11 =	vand.u32 $0x3F, v12;
	v12 =	vor.u32 v7, v12  }
0x22e: {  	v14 =	vor.u32 v6, v11;
	v13 =	vpop (erf)  }
0x22f: {  	v10 =	vmul.f32 v13, v10  }
0x230: {  	v11 =	vadd.s32 s0, v0  }
0x231: {  	v17 =	vor.u32 v7, v11;
	v13 =	vand.u32 $0x3F, v11;
	[tilespmem:s29+$0x10650] =	vst v10  }
0x232: {  	v13 =	vor.u32 v6, v13;
	v10 =	vld.idx.msk [tilespmem:v12+s19+$0x0], $0xffff  }
0x233: {  	v15 =	vld.idx.msk [tilespmem:v14+s20+$0x0], $0xffff  }
0x234: {  	v19 =	vld.idx.msk [tilespmem:v14+s19+$0x0], $0xffff  }
0x235: {  	v20 =	vld.idx.msk [tilespmem:v14+s21+$0x0], $0xffff  }
0x236: {  	v23 =	vld.idx.msk [tilespmem:v17+s19+$0x0], $0xffff  }
0x237: {  	v21 =	vld.idx.msk [tilespmem:v13+s19+$0x0], $0xffff  }
0x238: {  	v22 =	vld.idx.msk [tilespmem:v13+s21+$0x0], $0xffff  }
0x239: {  	s31 =	simm.s32 $0x2;
	v24 =	vld.idx.msk [tilespmem:v13+s22+$0x0], $0xffff  }
0x23a: {  	v16 =	vadd.s32 s31, v3;
	v18 =	vld.idx.msk [tilespmem:v17+s22+$0x0], $0xffff  }
0x23b: {  	v26 =	vor.u32 v7, v16;
	v11 =	vimm.f32 $0.0e+00;
	v27 =	vld.idx.msk [tilespmem:v13+s20+$0x0], $0xffff;
	v13 =	vand.u32 $0x3F, v16  }
0x23c: {  	v25 =	vld.idx.msk [tilespmem:v14+s22+$0x0], $0xffff;
	v28 =	vor.u32 v6, v13;
	v13 =	vadd.s32 s31, v0;
	v31 =	vmul.f32 v20, v19  }
0x23d: {  	v16 =	vld.idx.msk [tilespmem:v17+s20+$0x0], $0xffff;
	v32 =	vand.u32 $0x3F, v13;
	v17 =	vor.u32 v7, v13;
	v30 =	vmul.f32 v22, v21;
	v21 =	vmovc v28  }
0x23e: {  	v19 =	vld.idx.msk [tilespmem:v12+s20+$0x0], $0xffff;
	v20 =	vimm.f32 $0.0e+00;
	v13 =	vimm.f32 $0.0e+00;
	v29 =	vmul.f32 v24, v23  }
0x23f: {  	s0 =	simm.s32 $0x4;
	v14 =	vmovc v26;
	v22 =	vimm.f32 $0.0e+00;
	v23 =	vimm.f32 $0.0e+00;
	v24 =	vld.idx.msk [tilespmem:v12+s22+$0x0], $0xffff;
	v12 =	vimm.f32 $0.0e+00  }
.LBB2_15:
0x240: {  	p0 =	sne.s32 s0, $0x3E;
	v32 =	vor.u32 v6, v32;
	v26 =	vld.idx.msk [tilespmem:v26+s19+$0x0], $0xffff;
	v27 =	vmul.f32 v30, v27;
	v30 =	vmul.f32 v31, v15  }
0x241: {  	v15 =	vld.idx.msk [tilespmem:v28+s20+$0x0], $0xffff;
	v11 =	vadd.f32 v29, v11  }
0x242: {  	v16 =	vmul.f32 v18, v16;
	v29 =	vld.idx.msk [tilespmem:v21+s19+$0x0], $0xffff;
	v22 =	vadd.f32 v27, v22;
	v23 =	vadd.f32 v30, v23  }
0x243: {  	v18 =	vmul.f32 v25, v10;
	v31 =	vld.idx.msk [tilespmem:v21+s21+$0x0], $0xffff  }
0x244: {  	v12 =	vadd.f32 v16, v12;
	v33 =	vld.idx.msk [tilespmem:v17+s19+$0x0], $0xffff  }
0x245: {  	v20 =	vadd.f32 v18, v20;
	v16 =	vmul.f32 v24, v19;
	v30 =	vld.idx.msk [tilespmem:v32+s19+$0x0], $0xffff  }
0x246: {  	v10 =	vmov v26;
	v19 =	vld.idx.msk [tilespmem:v32+s21+$0x0], $0xffff  }
0x247: {  	v13 =	vadd.f32 v16, v13;
	v24 =	vld.idx.msk [tilespmem:v32+s22+$0x0], $0xffff  }
0x248: {  	v16 =	vadd.s32 s0, v3;
	v27 =	vld.idx.msk [tilespmem:v32+s20+$0x0], $0xffff  }
.Ltmp6:
0x249: {  	v18 =	vand.u32 $0x3F, v16;
	v26 =	vor.u32 v7, v16;
	v16 =	vld.idx.msk [tilespmem:v17+s20+$0x0], $0xffff;
	(pc) =	sbr.rel @p0 .LBB2_15-.Ltmp6, $4  }
0x24a: {  	v28 =	vor.u32 v6, v18;
	v18 =	vld.idx.msk [tilespmem:v17+s22+$0x0], $0xffff  }
0x24b: {  	v25 =	vld.idx.msk [tilespmem:v21+s22+$0x0], $0xffff;
	v21 =	vmov v28  }
0x24c: {  	v31 =	vmul.f32 v31, v29;
	v17 =	vadd.s32 s0, v0;
	v30 =	vmul.f32 v19, v30;
	v19 =	vld.idx.msk [tilespmem:v14+s20+$0x0], $0xffff  }
0x24d: {  	s0 =	sadd.s32 $0x2, s0;
	v32 =	vand.u32 $0x3F, v17;
	v17 =	vor.u32 v7, v17;
	v29 =	vmul.f32 v24, v33;
	v24 =	vld.idx.msk [tilespmem:v14+s22+$0x0], $0xffff;
	v14 =	vmovc v26  }
0x24e: {  	_ = 	snop  }
0x24f: {  	v32 =	vor.u32 v6, v32;
	_ =	sdelay $0x2  }
0x250: {  	v33 =	vld.idx.msk [tilespmem:v21+s19+$0x0], $0xffff  }
0x251: {  	v34 =	vld.idx.msk [tilespmem:v21+s21+$0x0], $0xffff  }
0x252: {  	v35 =	vld.idx.msk [tilespmem:v32+s19+$0x0], $0xffff  }
0x253: {  	v36 =	vld.idx.msk [tilespmem:v32+s21+$0x0], $0xffff  }
0x254: {  	v28 =	vld.idx.msk [tilespmem:v28+s20+$0x0], $0xffff  }
0x255: {  	v37 =	vld.idx.msk [tilespmem:v32+s20+$0x0], $0xffff;
	_ =	sdelay $0x1  }
0x256: {  	v27 =	vmul.f32 v30, v27;
	v15 =	vmul.f32 v31, v15  }
0x257: {  	v31 =	vmul.f32 v34, v33;
	v30 =	vmul.f32 v36, v35  }
0x258: {  	v22 =	vadd.f32 v27, v22  }
0x259: {  	v15 =	vadd.f32 v15, v23;
	v27 =	vmul.f32 v31, v28;
	v23 =	vmul.f32 v30, v37;
	_ =	sdelay $0x1  }
0x25a: {  	v15 =	vadd.f32 v27, v15;
	v22 =	vadd.f32 v23, v22;
	_ =	sdelay $0x1  }
0x25b: {  	v15 =	vadd.f32 v15, v22  }
0x25c: {  	v21 =	vld.idx.msk [tilespmem:v21+s22+$0x0], $0xffff  }
0x25d: {  	v23 =	vld.idx.msk [tilespmem:v17+s19+$0x0], $0xffff;
	v15 =	vsub.f32 $0.0e+00, v15  }
0x25e: {  	v22 =	vld.idx.msk [tilespmem:v26+s19+$0x0], $0xffff  }
0x25f: {  	v26 =	vld.idx.msk [tilespmem:v32+s22+$0x0], $0xffff;
	v15 =	vmul.f32 $1.442695020e+00, v15;
	_ =	sdelay $0x1  }
0x260: {  	(erf) = vpow2.f32 v15  }
0x261: {  	v10 =	vmul.f32 v25, v10  }
0x262: {  	v11 =	vadd.f32 v29, v11  }
0x263: {  	v10 =	vadd.f32 v10, v20;
	v20 =	vmul.f32 v21, v22;
	v15 =	vmul.f32 v26, v23;
	_ =	sdelay $0x1  }
0x264: {  	v10 =	vadd.f32 v20, v10;
	v11 =	vadd.f32 v15, v11;
	_ =	sdelay $0x1  }
0x265: {  	v10 =	vadd.f32 v10, v11  }
0x266: {  	v15 =	vld.idx.msk [tilespmem:v17+s22+$0x0], $0xffff  }
0x267: {  	v11 =	vld.idx.msk [tilespmem:v17+s20+$0x0], $0xffff;
	v10 =	vsub.f32 $0.0e+00, v10;
	v17 =	vpop (erf)  }
0x268: {  	v20 =	vld.idx.msk [tilespmem:v14+s20+$0x0], $0xffff;
	v17 =	vadd.f32 $1.000000000e+00, v17  }
0x269: {  	v14 =	vld.idx.msk [tilespmem:v14+s22+$0x0], $0xffff;
	v10 =	vmul.f32 $1.442695020e+00, v10  }
0x26a: {  	(erf) = vrcp.f32 v17  }
0x26b: {  	v16 =	vmul.f32 v18, v16;
	(erf) = vpow2.f32 v10  }
0x26c: {  	v10 =	vmul.f32 v24, v19  }
0x26d: {  	v12 =	vadd.f32 v16, v12;
	v11 =	vmul.f32 v15, v11  }
0x26e: {  	v10 =	vadd.f32 v10, v13;
	v13 =	vmul.f32 v14, v20  }
0x26f: {  	v11 =	vadd.f32 v11, v12  }
0x270: {  	v10 =	vadd.f32 v13, v10;
	_ =	sdelay $0x1  }
0x271: {  	v10 =	vadd.f32 v10, v11  }
0x272: {  	v11 =	vpop (erf)  }
0x273: {  	v10 =	vsub.f32 $0.0e+00, v10;
	v12 =	vpop (erf)  }
0x274: {  	v12 =	vadd.f32 $1.000000000e+00, v12  }
0x275: {  	v10 =	vmul.f32 $1.442695020e+00, v10  }
0x276: {  	(erf) = vrcp.f32 v12  }
0x277: {  	(erf) = vpow2.f32 v10;
	_ =	sdelay $0x7  }
0x278: {  	v10 =	vpop (erf)  }
0x279: {  	v12 =	vpop (erf)  }
0x27a: {  	v12 =	vadd.f32 $1.000000000e+00, v12;
	_ =	sdelay $0x1  }
0x27b: {  	(erf) = vrcp.f32 v12;
	_ =	sdelay $0x5  }
0x27c: {  	s0 =	simm.s32 $0x0;
	v11 =	vmul.f32 $2.000000000e+01, v11  }
0x27d: {  	v12 =	vadd.s32 s0, v3  }
0x27e: {  	v10 =	vmul.f32 v10, v11;
	v11 =	vand.u32 $0x3F, v12;
	v12 =	vor.u32 v9, v12  }
0x27f: {  	v14 =	vor.u32 v8, v11;
	v13 =	vpop (erf)  }
0x280: {  	v10 =	vmul.f32 v13, v10  }
0x281: {  	v11 =	vadd.s32 s0, v0  }
0x282: {  	v17 =	vor.u32 v9, v11;
	v13 =	vand.u32 $0x3F, v11;
	[tilespmem:s29+$0x10660] =	vst v10  }
0x283: {  	v13 =	vor.u32 v8, v13;
	v10 =	vld.idx.msk [tilespmem:v12+s19+$0x0], $0xffff  }
0x284: {  	v15 =	vld.idx.msk [tilespmem:v14+s20+$0x0], $0xffff  }
0x285: {  	v19 =	vld.idx.msk [tilespmem:v14+s19+$0x0], $0xffff  }
0x286: {  	v20 =	vld.idx.msk [tilespmem:v14+s21+$0x0], $0xffff  }
0x287: {  	v23 =	vld.idx.msk [tilespmem:v17+s19+$0x0], $0xffff  }
0x288: {  	v21 =	vld.idx.msk [tilespmem:v13+s19+$0x0], $0xffff  }
0x289: {  	v22 =	vld.idx.msk [tilespmem:v13+s21+$0x0], $0xffff  }
0x28a: {  	s31 =	simm.s32 $0x2;
	v24 =	vld.idx.msk [tilespmem:v13+s22+$0x0], $0xffff  }
0x28b: {  	v16 =	vadd.s32 s31, v3;
	v18 =	vld.idx.msk [tilespmem:v17+s22+$0x0], $0xffff  }
0x28c: {  	v26 =	vor.u32 v9, v16;
	v11 =	vimm.f32 $0.0e+00;
	v27 =	vld.idx.msk [tilespmem:v13+s20+$0x0], $0xffff;
	v13 =	vand.u32 $0x3F, v16  }
0x28d: {  	v25 =	vld.idx.msk [tilespmem:v14+s22+$0x0], $0xffff;
	v28 =	vor.u32 v8, v13;
	v13 =	vadd.s32 s31, v0;
	v31 =	vmul.f32 v20, v19  }
0x28e: {  	v16 =	vld.idx.msk [tilespmem:v17+s20+$0x0], $0xffff;
	v32 =	vand.u32 $0x3F, v13;
	v17 =	vor.u32 v9, v13;
	v30 =	vmul.f32 v22, v21;
	v21 =	vmovc v28  }
0x28f: {  	v19 =	vld.idx.msk [tilespmem:v12+s20+$0x0], $0xffff;
	v20 =	vimm.f32 $0.0e+00;
	v13 =	vimm.f32 $0.0e+00;
	v29 =	vmul.f32 v24, v23  }
0x290: {  	s0 =	simm.s32 $0x4;
	v14 =	vmovc v26;
	v22 =	vimm.f32 $0.0e+00;
	v23 =	vimm.f32 $0.0e+00;
	v24 =	vld.idx.msk [tilespmem:v12+s22+$0x0], $0xffff;
	v12 =	vimm.f32 $0.0e+00  }
.LBB2_17:
0x291: {  	p0 =	sne.s32 s0, $0x3E;
	v32 =	vor.u32 v8, v32;
	v26 =	vld.idx.msk [tilespmem:v26+s19+$0x0], $0xffff;
	v27 =	vmul.f32 v30, v27;
	v30 =	vmul.f32 v31, v15  }
0x292: {  	v15 =	vld.idx.msk [tilespmem:v28+s20+$0x0], $0xffff;
	v11 =	vadd.f32 v29, v11  }
0x293: {  	v16 =	vmul.f32 v18, v16;
	v29 =	vld.idx.msk [tilespmem:v21+s19+$0x0], $0xffff;
	v22 =	vadd.f32 v27, v22;
	v23 =	vadd.f32 v30, v23  }
0x294: {  	v18 =	vmul.f32 v25, v10;
	v31 =	vld.idx.msk [tilespmem:v21+s21+$0x0], $0xffff  }
0x295: {  	v12 =	vadd.f32 v16, v12;
	v33 =	vld.idx.msk [tilespmem:v17+s19+$0x0], $0xffff  }
0x296: {  	v20 =	vadd.f32 v18, v20;
	v16 =	vmul.f32 v24, v19;
	v30 =	vld.idx.msk [tilespmem:v32+s19+$0x0], $0xffff  }
0x297: {  	v10 =	vmov v26;
	v19 =	vld.idx.msk [tilespmem:v32+s21+$0x0], $0xffff  }
0x298: {  	v13 =	vadd.f32 v16, v13;
	v24 =	vld.idx.msk [tilespmem:v32+s22+$0x0], $0xffff  }
0x299: {  	v16 =	vadd.s32 s0, v3;
	v27 =	vld.idx.msk [tilespmem:v32+s20+$0x0], $0xffff  }
.Ltmp7:
0x29a: {  	v18 =	vand.u32 $0x3F, v16;
	v26 =	vor.u32 v9, v16;
	v16 =	vld.idx.msk [tilespmem:v17+s20+$0x0], $0xffff;
	(pc) =	sbr.rel @p0 .LBB2_17-.Ltmp7, $4  }
0x29b: {  	v28 =	vor.u32 v8, v18;
	v18 =	vld.idx.msk [tilespmem:v17+s22+$0x0], $0xffff  }
0x29c: {  	v25 =	vld.idx.msk [tilespmem:v21+s22+$0x0], $0xffff;
	v21 =	vmov v28  }
0x29d: {  	v31 =	vmul.f32 v31, v29;
	v17 =	vadd.s32 s0, v0;
	v30 =	vmul.f32 v19, v30;
	v19 =	vld.idx.msk [tilespmem:v14+s20+$0x0], $0xffff  }
0x29e: {  	s0 =	sadd.s32 $0x2, s0;
	v32 =	vand.u32 $0x3F, v17;
	v17 =	vor.u32 v9, v17;
	v29 =	vmul.f32 v24, v33;
	v24 =	vld.idx.msk [tilespmem:v14+s22+$0x0], $0xffff;
	v14 =	vmovc v26  }
0x29f: {  	_ = 	snop  }
0x2a0: {  	v32 =	vor.u32 v8, v32;
	_ =	sdelay $0x2  }
0x2a1: {  	v33 =	vld.idx.msk [tilespmem:v21+s19+$0x0], $0xffff  }
0x2a2: {  	v34 =	vld.idx.msk [tilespmem:v21+s21+$0x0], $0xffff  }
0x2a3: {  	v35 =	vld.idx.msk [tilespmem:v32+s19+$0x0], $0xffff  }
0x2a4: {  	v36 =	vld.idx.msk [tilespmem:v32+s21+$0x0], $0xffff  }
0x2a5: {  	v28 =	vld.idx.msk [tilespmem:v28+s20+$0x0], $0xffff  }
0x2a6: {  	v37 =	vld.idx.msk [tilespmem:v32+s20+$0x0], $0xffff;
	_ =	sdelay $0x1  }
0x2a7: {  	v27 =	vmul.f32 v30, v27;
	v15 =	vmul.f32 v31, v15  }
0x2a8: {  	v48 =	vmul.f32 v34, v33;
	v47 =	vmul.f32 v36, v35  }
0x2a9: {  	v22 =	vadd.f32 v27, v22  }
0x2aa: {  	v15 =	vadd.f32 v15, v23;
	v50 =	vmul.f32 v48, v28;
	v49 =	vmul.f32 v47, v37;
	_ =	sdelay $0x1  }
0x2ab: {  	v15 =	vadd.f32 v50, v15;
	v22 =	vadd.f32 v49, v22;
	_ =	sdelay $0x1  }
0x2ac: {  	v15 =	vadd.f32 v15, v22  }
0x2ad: {  	v51 =	vld.idx.msk [tilespmem:v26+s19+$0x0], $0xffff  }
0x2ae: {  	v52 =	vld.idx.msk [tilespmem:v17+s19+$0x0], $0xffff;
	v15 =	vsub.f32 $0.0e+00, v15  }
0x2af: {  	v54 =	vld.idx.msk [tilespmem:v21+s22+$0x0], $0xffff  }
0x2b0: {  	v53 =	vld.idx.msk [tilespmem:v32+s22+$0x0], $0xffff;
	v15 =	vmul.f32 $1.442695020e+00, v15;
	_ =	sdelay $0x1  }
0x2b1: {  	(erf) = vpow2.f32 v15  }
0x2b2: {  	v10 =	vmul.f32 v25, v10  }
0x2b3: {  	v11 =	vadd.f32 v29, v11  }
0x2b4: {  	v10 =	vadd.f32 v10, v20;
	v56 =	vmul.f32 v54, v51;
	v55 =	vmul.f32 v53, v52;
	_ =	sdelay $0x1  }
0x2b5: {  	v10 =	vadd.f32 v56, v10;
	v11 =	vadd.f32 v55, v11;
	_ =	sdelay $0x1  }
0x2b6: {  	v10 =	vadd.f32 v10, v11  }
0x2b7: {  	v57 =	vld.idx.msk [tilespmem:v17+s22+$0x0], $0xffff  }
0x2b8: {  	v59 =	vld.idx.msk [tilespmem:v14+s20+$0x0], $0xffff;
	v10 =	vsub.f32 $0.0e+00, v10;
	v58 =	vpop (erf)  }
0x2b9: {  	v11 =	vld.idx.msk [tilespmem:v17+s20+$0x0], $0xffff;
	v17 =	vadd.f32 $1.000000000e+00, v58  }
0x2ba: {  	v60 =	vld.idx.msk [tilespmem:v14+s22+$0x0], $0xffff;
	v10 =	vmul.f32 $1.442695020e+00, v10  }
0x2bb: {  	(erf) = vrcp.f32 v17  }
0x2bc: {  	v16 =	vmul.f32 v18, v16;
	(erf) = vpow2.f32 v10  }
0x2bd: {  	v10 =	vmul.f32 v24, v19  }
0x2be: {  	v12 =	vadd.f32 v16, v12;
	v11 =	vmul.f32 v57, v11  }
0x2bf: {  	v61 =	vmul.f32 v60, v59;
	v10 =	vadd.f32 v10, v13  }
0x2c0: {  	v11 =	vadd.f32 v11, v12  }
0x2c1: {  	v10 =	vadd.f32 v61, v10;
	_ =	sdelay $0x1  }
0x2c2: {  	v10 =	vadd.f32 v10, v11  }
0x2c3: {  	v11 =	vpop (erf)  }
0x2c4: {  	v10 =	vsub.f32 $0.0e+00, v10;
	v62 =	vpop (erf)  }
0x2c5: {  	v12 =	vadd.f32 $1.000000000e+00, v62  }
0x2c6: {  	v10 =	vmul.f32 $1.442695020e+00, v10  }
0x2c7: {  	(erf) = vrcp.f32 v12  }
0x2c8: {  	(erf) = vpow2.f32 v10;
	_ =	sdelay $0x7  }
0x2c9: {  	v10 =	vpop (erf)  }
0x2ca: {  	v63 =	vpop (erf)  }
0x2cb: {  	v12 =	vadd.f32 $1.000000000e+00, v63;
	_ =	sdelay $0x1  }
0x2cc: {  	(erf) = vrcp.f32 v12;
	_ =	sdelay $0x4  }
0x2cd: {  	v11 =	vmul.f32 $2.000000000e+01, v11  }
0x2ce: {  	s28 =	sadd.s32 $0x1, s28  }
0x2cf: {  	p0 =	sne.s32 s28, $0x4  }
.Ltmp8:
0x2d0: {  	v10 =	vmul.f32 v10, v11;
	(pc) =	sbr.rel @p0 .LBB2_2-.Ltmp8, $3  }
0x2d1: {  	v11 =	vpop (erf)  }
0x2d2: {  	v10 =	vmul.f32 v11, v10;
	_ =	sdelay $0x1  }
0x2d3: {  	[tilespmem:s29+$0x10670] =	vst v10  }
0x2d4: {  	s26 =	sadd.s32 $0x1, s26  }
0x2d5: {  	p0 =	sne.s32 s26, s10  }
.Ltmp9:
0x2d6: {  	_ = 	snop;
	(pc) =	sbr.rel @p0 .LBB2_1-.Ltmp9, $4  }
0x2d7: {  	[hbm4b:s9+s1] =	stream.linear.scatter [tilespmem:s25], [sflag:$0x3], $0x200, $0x38;
	[tilespmem:$0x10800] =	vst v63  }
0x2d8: {  	_ =	swait.ge [sflag:s11], $0x200  }
0x2d9: {  	[sflag:s11] =	ssyncset.done $0x0  }
0x2da: {  	[sflag:s11] =	ssyncadd.s32 $0xFFFFFE00  }
0x2db: {  	_ =	sfence.sel $0x180000  }
0x2dc: {  	[bflag:$0x0] =	sbarrier.arrive $0xFFFF  }
0x2dd: {  	_ =	strace $0x90000047  }
0x2de: {  	s0 =	stileid.u32;
	[bflag:$0x2] =	sbarrier.arrive $0xFFFF  }
0x2df: {  	p0 =	sne.s32 s0, $0x0;
	s0 =	rddreg [dreg:$0x5]  }
0x2e0: {  	s0 =	sadd.s32 @!p0 $0x100000, s0  }
0x2e1: {  	[sflag:s0] =	ssyncadd.tile.s32 @!p0 $0x1;
	_ =	shalt  }
.Lfunc_end2:
_tile_overlayer_lowered:
.L_overlay_start_2:
0x2e2: {  	(tag) =	ssettag $0x2  }
0x2e3: {  	s0 =	rddreg [dreg:$0x0];
	s2 =	stileid.u32  }
0x2e4: {  	s1 =	rddreg [dreg:$0x1];
	p0 =	sne.s32 s2, $0x0  }
0x2e5: {  	s3 =	rddreg [dreg:$0x2];
	[bflag:$0x3] =	sbarrier.arrive $0xFFFF;
	s2 =	simm.s32 @!p0 $0x1C03  }
0x2e6: {  	[timem:s3], [sflag:s2] =	dma.local @!p0 [hbm:s0], s1  }
0x2e7: {  	s0 =	simm.s32 @!p0 $0x3  }
0x2e8: {  	_ =	swait.ge @!p0 [sflag:s0], s1  }
0x2e9: {  	s1 =	ssub.s32 @!p0 $0x0, s1;
	[sflag:s0] =	ssyncset.done @!p0 $0x0  }
0x2ea: {  	[sflag:s0] =	ssyncadd.s32 @!p0 s1  }
0x2eb: {  	[bflag:$0x3] =	sbarrier.arrive $0xFFFF  }
0x2ec: {  	_ =	shalt  }

</sc_bundles>
